<compile_context>
chip_gen: v7x
topology: tpu7x:2x2x1
jax: 0.10.2.dev20260603
libtpu: 0.0.44.dev20260713+nightly
codegen_flags: <defaults>
</compile_context>

<pallas_src>
import functools

import jax
import jax.numpy as jnp
from jax import lax
from jax.experimental import pallas as pl
from jax.experimental.pallas import tpu as pltpu
from jax.experimental.pallas import tpu_sc as plsc

K = 1024
D = 256
BETA = 0.25

BM = 1024


def _argmin_body(z_ref, e_ref, idx_ref, msum_ref):
    zb = z_ref[...]
    e = e_ref[...]
    zn = jnp.sum(zb * zb, axis=1, keepdims=True)
    en = jnp.sum(e * e, axis=1)
    prod = lax.dot_general(zb, e, (((1,), (1,)), ((), ())))
    dist = zn - 2.0 * prod + en[None, :]
    minval = jnp.min(dist, axis=1, keepdims=True)
    lane = lax.broadcasted_iota(jnp.int32, dist.shape, 1)
    idx = jnp.min(jnp.where(dist == minval, lane, K), axis=1)
    idx_ref[...] = idx.astype(jnp.int32)

    @pl.when(pl.program_id(0) == 0)
    def _():
        msum_ref[...] = jnp.zeros_like(msum_ref)

    msum_ref[...] += jnp.sum(minval, keepdims=True)


def _tc_argmin(flat, embedding):
    rows = flat.shape[0]
    grid = rows // BM
    return pl.pallas_call(
        _argmin_body,
        grid=(grid,),
        in_specs=[
            pl.BlockSpec((BM, D), lambda i: (i, 0)),
            pl.BlockSpec((K, D), lambda i: (0, 0)),
        ],
        out_specs=[
            pl.BlockSpec((BM,), lambda i: (i,)),
            pl.BlockSpec((1, 1), lambda i: (0, 0)),
        ],
        out_shape=[
            jax.ShapeDtypeStruct((rows,), jnp.int32),
            jax.ShapeDtypeStruct((1, 1), jnp.float32),
        ],
    )(flat, embedding)


def _make_sc_gather(rows):
    info = plsc.get_sparse_core_info()
    nc, ns = info.num_cores, info.num_subcores
    nw = nc * ns
    rpw = rows // nw
    ch = min(rpw, 256)
    mesh = plsc.VectorSubcoreMesh(core_axis_name="c", subcore_axis_name="s")

    @functools.partial(
        pl.kernel,
        mesh=mesh,
        out_type=jax.ShapeDtypeStruct((rows, D), jnp.float32),
        scratch_types=[
            pltpu.VMEM((rpw,), jnp.int32),
            pltpu.VMEM((ch, D), jnp.float32),
            pltpu.SemaphoreType.DMA,
        ],
    )
    def gather(table_hbm, idx_hbm, out_hbm, idx_v, rows_v, sem):
        wid = lax.axis_index("s") * nc + lax.axis_index("c")
        base = wid * rpw
        pltpu.sync_copy(idx_hbm.at[pl.ds(base, rpw)], idx_v)
        for c in range(rpw // ch):
            pltpu.async_copy(
                table_hbm.at[idx_v.at[pl.ds(c * ch, ch)]], rows_v, sem
            ).wait()
            pltpu.sync_copy(rows_v, out_hbm.at[pl.ds(base + c * ch, ch)])

    return gather


def kernel(z, embedding):
    B, C, H, W = z.shape
    rows = B * C
    flat = z.reshape(rows, H * W)
    idx, msum = _tc_argmin(flat, embedding)
    quantized = _make_sc_gather(rows)(embedding, idx)
    commit_loss = msum[0, 0] * (BETA / z.size)
    return quantized.reshape(B, C, H, W), commit_loss, idx.reshape(B, C)

# --- scband reference (transcript-rebuilt; emitter-appended) ---
"""Pipeline reference for scband-vector-quantizer-ema-43009802502171 (READ-ONLY COPY).

The authoritative reference and input builder live on the scoring server;
editing this copy changes nothing except your own understanding.
"""

import jax, jax.numpy as jnp
import numpy as np

K = 1024
D = 256
BETA = 0.25

def setup_inputs(seed: int = 0) -> dict:
    key = jax.random.key(seed)
    k1, k2 = jax.random.split(key)
    z = jax.random.normal(k1, (64, 384, 16, 16), dtype=jnp.float32)
    embedding = jax.random.normal(k2, (K, D), dtype=jnp.float32)
    return {"z": z, "embedding": embedding}

def reference(z, embedding):
    B, C, H, W = z.shape
    flat = z.reshape(B * C, H * W)
    dist = jnp.sum(flat ** 2, axis=1, keepdims=True) - 2.0 * flat @ embedding.T + jnp.sum(embedding ** 2, axis=1)
    indices = jnp.argmin(dist, axis=1)
    quantized = jnp.take(embedding, indices, axis=0)
    quantized = quantized.reshape(B, C, H, W)
    commit_loss = jnp.mean((jax.lax.stop_gradient(quantized) - z) ** 2)
    q_st = z + jax.lax.stop_gradient(quantized - z)
    return (q_st, BETA * commit_loss, indices.reshape(B, C))

if __name__ == "__main__":
    import jax
    _d = setup_inputs()
    print(jax.jit(kernel)(*tuple(_d.values())))

</pallas_src>

<mosaic_0001>
#map = affine_map<(d0, d1) -> (0, 0)>
#map1 = affine_map<(d0, d1) -> (0)>
module attributes {stable_mosaic.version = 14 : i64} {
  func.func @gather(%arg0: i32, %arg1: i32, %arg2: memref<1024x256xf32, #tpu.memory_space<hbm>>, %arg3: memref<24576xi32, #tpu.memory_space<hbm>>, %arg4: memref<24576x256xf32, #tpu.memory_space<hbm>>, %arg5: memref<768xi32, #tpu.memory_space<vmem>>, %arg6: memref<256x256xf32, #tpu.memory_space<vmem>>, %arg7: memref<!tpu.dma_semaphore, #tpu.memory_space<semaphore_mem>>) attributes {dimension_semantics = [#tpu.dimension_semantics<core_parallel>, #tpu.dimension_semantics<subcore_parallel>], iteration_bounds = array<i64: 2, 16>, scalar_prefetch = 0 : i64, scratch_operands = 3 : i64, tpu.core_type = #tpu.core_type<sc_vector_subcore>, window_params = [{transform_indices = #map}, {transform_indices = #map1}, {transform_indices = #map}]} {
    %mul3A = arith.constant 2 : i32
    %mul3A_0 = arith.muli %arg1, %mul3A : i32
    %add3A = arith.addi %mul3A_0, %arg0 : i32
    %mul3A_1 = arith.constant 768 : i32
    %mul3A_2 = arith.muli %add3A, %mul3A_1 : i32
    "tpu.region"() ({
      %run_scoped3A = tpu.sem_alloc : memref<!tpu.dma_semaphore, #tpu.memory_space<semaphore_mem>>
      %dma_start3A_37 = tpu.memref_slice %arg3[%mul3A_2] : memref<24576xi32, #tpu.memory_space<hbm>> -> memref<768xi32, #tpu.memory_space<hbm>>
      %dma_start3A_38 = tpu.memref_slice %arg3[%mul3A_2] : memref<24576xi32, #tpu.memory_space<hbm>> -> memref<768xi32, #tpu.memory_space<hbm>>
      tpu.enqueue_dma source(%dma_start3A_38 : memref<768xi32, #tpu.memory_space<hbm>>) target(%arg5 : memref<768xi32, #tpu.memory_space<vmem>>) target_semaphore(%run_scoped3A : memref<!tpu.dma_semaphore, #tpu.memory_space<semaphore_mem>>)
      %dma_wait3A_39 = tpu.memref_slice %arg3[%mul3A_2] : memref<24576xi32, #tpu.memory_space<hbm>> -> memref<768xi32, #tpu.memory_space<hbm>>
      %dma_wait3A_40 = tpu.memref_slice %arg3[%mul3A_2] : memref<24576xi32, #tpu.memory_space<hbm>> -> memref<768xi32, #tpu.memory_space<hbm>>
      tpu.wait_dma2 semaphore(%run_scoped3A : memref<!tpu.dma_semaphore, #tpu.memory_space<semaphore_mem>>) src(%dma_wait3A_40 : memref<768xi32, #tpu.memory_space<hbm>>) dst(%arg5 : memref<768xi32, #tpu.memory_space<vmem>>)
      tpu.yield
    }) : () -> ()
    %dma_start3A = arith.constant 0 : i32
    %dma_start3A_3 = tpu.memref_slice %arg5[%dma_start3A] : memref<768xi32, #tpu.memory_space<vmem>> -> memref<256xi32, #tpu.memory_space<vmem>>
    %dma_start3A_4 = arith.constant 0 : i32
    %dma_start3A_5 = arith.constant 0 : i32
    %dma_start3A_6 = tpu.memref_slice %arg2[%dma_start3A_4, %dma_start3A_5] : memref<1024x256xf32, #tpu.memory_space<hbm>> -> memref<1024x256xf32, #tpu.memory_space<hbm>>
    tpu.enqueue_indirect_dma source(%dma_start3A_6 : memref<1024x256xf32, #tpu.memory_space<hbm>>) target(%arg6 : memref<256x256xf32, #tpu.memory_space<vmem>>) offsets(%dma_start3A_3 : memref<256xi32, #tpu.memory_space<vmem>>) semaphore(%arg7 : memref<!tpu.dma_semaphore, #tpu.memory_space<semaphore_mem>>)
    %dma_wait3A = arith.constant 0 : i32
    %dma_wait3A_7 = tpu.memref_slice %arg5[%dma_wait3A] : memref<768xi32, #tpu.memory_space<vmem>> -> memref<256xi32, #tpu.memory_space<vmem>>
    %dma_wait3A_8 = arith.constant 0 : i32
    %dma_wait3A_9 = arith.constant 0 : i32
    %dma_wait3A_10 = tpu.memref_slice %arg2[%dma_wait3A_8, %dma_wait3A_9] : memref<1024x256xf32, #tpu.memory_space<hbm>> -> memref<1024x256xf32, #tpu.memory_space<hbm>>
    tpu.wait_indirect_dma semaphore(%arg7 : memref<!tpu.dma_semaphore, #tpu.memory_space<semaphore_mem>>) src(%dma_wait3A_10 : memref<1024x256xf32, #tpu.memory_space<hbm>>) dst(%arg6 : memref<256x256xf32, #tpu.memory_space<vmem>>)
    %add3A_11 = arith.constant 0 : i32
    %add3A_12 = arith.addi %mul3A_2, %add3A_11 : i32
    "tpu.region"() ({
      %run_scoped3A = tpu.sem_alloc : memref<!tpu.dma_semaphore, #tpu.memory_space<semaphore_mem>>
      %dma_start3A_37 = arith.constant 0 : i32
      %dma_start3A_38 = tpu.memref_slice %arg4[%add3A_12, %dma_start3A_37] : memref<24576x256xf32, #tpu.memory_space<hbm>> -> memref<256x256xf32, #tpu.memory_space<hbm>>
      %dma_start3A_39 = arith.constant 0 : i32
      %dma_start3A_40 = tpu.memref_slice %arg4[%add3A_12, %dma_start3A_39] : memref<24576x256xf32, #tpu.memory_space<hbm>> -> memref<256x256xf32, #tpu.memory_space<hbm>>
      tpu.enqueue_dma source(%arg6 : memref<256x256xf32, #tpu.memory_space<vmem>>) target(%dma_start3A_40 : memref<256x256xf32, #tpu.memory_space<hbm>>) target_semaphore(%run_scoped3A : memref<!tpu.dma_semaphore, #tpu.memory_space<semaphore_mem>>)
      %dma_wait3A_41 = arith.constant 0 : i32
      %dma_wait3A_42 = tpu.memref_slice %arg4[%add3A_12, %dma_wait3A_41] : memref<24576x256xf32, #tpu.memory_space<hbm>> -> memref<256x256xf32, #tpu.memory_space<hbm>>
      %dma_wait3A_43 = arith.constant 0 : i32
      %dma_wait3A_44 = tpu.memref_slice %arg4[%add3A_12, %dma_wait3A_43] : memref<24576x256xf32, #tpu.memory_space<hbm>> -> memref<256x256xf32, #tpu.memory_space<hbm>>
      tpu.wait_dma2 semaphore(%run_scoped3A : memref<!tpu.dma_semaphore, #tpu.memory_space<semaphore_mem>>) src(%arg6 : memref<256x256xf32, #tpu.memory_space<vmem>>) dst(%dma_wait3A_44 : memref<256x256xf32, #tpu.memory_space<hbm>>)
      tpu.yield
    }) : () -> ()
    %dma_start3A_13 = arith.constant 256 : i32
    %dma_start3A_14 = tpu.memref_slice %arg5[%dma_start3A_13] : memref<768xi32, #tpu.memory_space<vmem>> -> memref<256xi32, #tpu.memory_space<vmem>>
    %dma_start3A_15 = arith.constant 0 : i32
    %dma_start3A_16 = arith.constant 0 : i32
    %dma_start3A_17 = tpu.memref_slice %arg2[%dma_start3A_15, %dma_start3A_16] : memref<1024x256xf32, #tpu.memory_space<hbm>> -> memref<1024x256xf32, #tpu.memory_space<hbm>>
    tpu.enqueue_indirect_dma source(%dma_start3A_17 : memref<1024x256xf32, #tpu.memory_space<hbm>>) target(%arg6 : memref<256x256xf32, #tpu.memory_space<vmem>>) offsets(%dma_start3A_14 : memref<256xi32, #tpu.memory_space<vmem>>) semaphore(%arg7 : memref<!tpu.dma_semaphore, #tpu.memory_space<semaphore_mem>>)
    %dma_wait3A_18 = arith.constant 256 : i32
    %dma_wait3A_19 = tpu.memref_slice %arg5[%dma_wait3A_18] : memref<768xi32, #tpu.memory_space<vmem>> -> memref<256xi32, #tpu.memory_space<vmem>>
    %dma_wait3A_20 = arith.constant 0 : i32
    %dma_wait3A_21 = arith.constant 0 : i32
    %dma_wait3A_22 = tpu.memref_slice %arg2[%dma_wait3A_20, %dma_wait3A_21] : memref<1024x256xf32, #tpu.memory_space<hbm>> -> memref<1024x256xf32, #tpu.memory_space<hbm>>
    tpu.wait_indirect_dma semaphore(%arg7 : memref<!tpu.dma_semaphore, #tpu.memory_space<semaphore_mem>>) src(%dma_wait3A_22 : memref<1024x256xf32, #tpu.memory_space<hbm>>) dst(%arg6 : memref<256x256xf32, #tpu.memory_space<vmem>>)
    %add3A_23 = arith.constant 256 : i32
    %add3A_24 = arith.addi %mul3A_2, %add3A_23 : i32
    "tpu.region"() ({
      %run_scoped3A = tpu.sem_alloc : memref<!tpu.dma_semaphore, #tpu.memory_space<semaphore_mem>>
      %dma_start3A_37 = arith.constant 0 : i32
      %dma_start3A_38 = tpu.memref_slice %arg4[%add3A_24, %dma_start3A_37] : memref<24576x256xf32, #tpu.memory_space<hbm>> -> memref<256x256xf32, #tpu.memory_space<hbm>>
      %dma_start3A_39 = arith.constant 0 : i32
      %dma_start3A_40 = tpu.memref_slice %arg4[%add3A_24, %dma_start3A_39] : memref<24576x256xf32, #tpu.memory_space<hbm>> -> memref<256x256xf32, #tpu.memory_space<hbm>>
      tpu.enqueue_dma source(%arg6 : memref<256x256xf32, #tpu.memory_space<vmem>>) target(%dma_start3A_40 : memref<256x256xf32, #tpu.memory_space<hbm>>) target_semaphore(%run_scoped3A : memref<!tpu.dma_semaphore, #tpu.memory_space<semaphore_mem>>)
      %dma_wait3A_41 = arith.constant 0 : i32
      %dma_wait3A_42 = tpu.memref_slice %arg4[%add3A_24, %dma_wait3A_41] : memref<24576x256xf32, #tpu.memory_space<hbm>> -> memref<256x256xf32, #tpu.memory_space<hbm>>
      %dma_wait3A_43 = arith.constant 0 : i32
      %dma_wait3A_44 = tpu.memref_slice %arg4[%add3A_24, %dma_wait3A_43] : memref<24576x256xf32, #tpu.memory_space<hbm>> -> memref<256x256xf32, #tpu.memory_space<hbm>>
      tpu.wait_dma2 semaphore(%run_scoped3A : memref<!tpu.dma_semaphore, #tpu.memory_space<semaphore_mem>>) src(%arg6 : memref<256x256xf32, #tpu.memory_space<vmem>>) dst(%dma_wait3A_44 : memref<256x256xf32, #tpu.memory_space<hbm>>)
      tpu.yield
    }) : () -> ()
    %dma_start3A_25 = arith.constant 512 : i32
    %dma_start3A_26 = tpu.memref_slice %arg5[%dma_start3A_25] : memref<768xi32, #tpu.memory_space<vmem>> -> memref<256xi32, #tpu.memory_space<vmem>>
    %dma_start3A_27 = arith.constant 0 : i32
    %dma_start3A_28 = arith.constant 0 : i32
    %dma_start3A_29 = tpu.memref_slice %arg2[%dma_start3A_27, %dma_start3A_28] : memref<1024x256xf32, #tpu.memory_space<hbm>> -> memref<1024x256xf32, #tpu.memory_space<hbm>>
    tpu.enqueue_indirect_dma source(%dma_start3A_29 : memref<1024x256xf32, #tpu.memory_space<hbm>>) target(%arg6 : memref<256x256xf32, #tpu.memory_space<vmem>>) offsets(%dma_start3A_26 : memref<256xi32, #tpu.memory_space<vmem>>) semaphore(%arg7 : memref<!tpu.dma_semaphore, #tpu.memory_space<semaphore_mem>>)
    %dma_wait3A_30 = arith.constant 512 : i32
    %dma_wait3A_31 = tpu.memref_slice %arg5[%dma_wait3A_30] : memref<768xi32, #tpu.memory_space<vmem>> -> memref<256xi32, #tpu.memory_space<vmem>>
    %dma_wait3A_32 = arith.constant 0 : i32
    %dma_wait3A_33 = arith.constant 0 : i32
    %dma_wait3A_34 = tpu.memref_slice %arg2[%dma_wait3A_32, %dma_wait3A_33] : memref<1024x256xf32, #tpu.memory_space<hbm>> -> memref<1024x256xf32, #tpu.memory_space<hbm>>
    tpu.wait_indirect_dma semaphore(%arg7 : memref<!tpu.dma_semaphore, #tpu.memory_space<semaphore_mem>>) src(%dma_wait3A_34 : memref<1024x256xf32, #tpu.memory_space<hbm>>) dst(%arg6 : memref<256x256xf32, #tpu.memory_space<vmem>>)
    %add3A_35 = arith.constant 512 : i32
    %add3A_36 = arith.addi %mul3A_2, %add3A_35 : i32
    "tpu.region"() ({
      %run_scoped3A = tpu.sem_alloc : memref<!tpu.dma_semaphore, #tpu.memory_space<semaphore_mem>>
      %dma_start3A_37 = arith.constant 0 : i32
      %dma_start3A_38 = tpu.memref_slice %arg4[%add3A_36, %dma_start3A_37] : memref<24576x256xf32, #tpu.memory_space<hbm>> -> memref<256x256xf32, #tpu.memory_space<hbm>>
      %dma_start3A_39 = arith.constant 0 : i32
      %dma_start3A_40 = tpu.memref_slice %arg4[%add3A_36, %dma_start3A_39] : memref<24576x256xf32, #tpu.memory_space<hbm>> -> memref<256x256xf32, #tpu.memory_space<hbm>>
      tpu.enqueue_dma source(%arg6 : memref<256x256xf32, #tpu.memory_space<vmem>>) target(%dma_start3A_40 : memref<256x256xf32, #tpu.memory_space<hbm>>) target_semaphore(%run_scoped3A : memref<!tpu.dma_semaphore, #tpu.memory_space<semaphore_mem>>)
      %dma_wait3A_41 = arith.constant 0 : i32
      %dma_wait3A_42 = tpu.memref_slice %arg4[%add3A_36, %dma_wait3A_41] : memref<24576x256xf32, #tpu.memory_space<hbm>> -> memref<256x256xf32, #tpu.memory_space<hbm>>
      %dma_wait3A_43 = arith.constant 0 : i32
      %dma_wait3A_44 = tpu.memref_slice %arg4[%add3A_36, %dma_wait3A_43] : memref<24576x256xf32, #tpu.memory_space<hbm>> -> memref<256x256xf32, #tpu.memory_space<hbm>>
      tpu.wait_dma2 semaphore(%run_scoped3A : memref<!tpu.dma_semaphore, #tpu.memory_space<semaphore_mem>>) src(%arg6 : memref<256x256xf32, #tpu.memory_space<vmem>>) dst(%dma_wait3A_44 : memref<256x256xf32, #tpu.memory_space<hbm>>)
      tpu.yield
    }) : () -> ()
    return
  }
}

module attributes {stable_mosaic.version = 14 : i64} {
  func.func @_argmin_body(%arg0: i32, %arg1: memref<1024x256xf32, #tpu.memory_space<vmem>>, %arg2: memref<1024x256xf32, #tpu.memory_space<vmem>>, %arg3: memref<1024xi32, #tpu.memory_space<vmem>>, %arg4: memref<1x1xf32, #tpu.memory_space<vmem>>) attributes {dimension_semantics = [#tpu.dimension_semantics<arbitrary>], iteration_bounds = array<i64: 24>, scalar_prefetch = 0 : i64, scratch_operands = 0 : i64, tpu.core_type = #tpu.core_type<tc>, window_params = [{transform_indices = @transform_0, window_bounds = array<i64: 1024, 256>}, {pipeline_mode = #tpu.pipeline_mode<synchronous>, transform_indices = @transform_1, window_bounds = array<i64: 1024, 256>}, {transform_indices = @transform_2, window_bounds = array<i64: 1024>}, {pipeline_mode = #tpu.pipeline_mode<synchronous>, transform_indices = @transform_3, window_bounds = array<i64: 1, 1>}]} {
    %get3A = arith.constant 0 : index
    %get3A_0 = arith.constant 0 : index
    %get3A_1 = vector.load %arg1[%get3A, %get3A_0] : memref<1024x256xf32, #tpu.memory_space<vmem>>, vector<1024x256xf32>
    %get3A_2 = arith.constant 0 : index
    %get3A_3 = arith.constant 0 : index
    %get3A_4 = vector.load %arg2[%get3A_2, %get3A_3] : memref<1024x256xf32, #tpu.memory_space<vmem>>, vector<1024x256xf32>
    %mul3A = arith.mulf %get3A_1, %get3A_1 : vector<1024x256xf32>
    %reduce_sum3A = arith.constant dense<0.000000e+00> : vector<1024xf32>
    %reduce_sum3A_5 = vector.multi_reduction <add>, %mul3A, %reduce_sum3A [1] : vector<1024x256xf32> to vector<1024xf32>
    %broadcast_in_dim3A = vector.shape_cast %reduce_sum3A_5 : vector<1024xf32> to vector<1024x1xf32>
    %mul3A_6 = arith.mulf %get3A_4, %get3A_4 : vector<1024x256xf32>
    %reduce_sum3A_7 = arith.constant dense<0.000000e+00> : vector<1024xf32>
    %reduce_sum3A_8 = vector.multi_reduction <add>, %mul3A_6, %reduce_sum3A_7 [1] : vector<1024x256xf32> to vector<1024xf32>
    %dot_general3A = arith.constant dense<0.000000e+00> : vector<1024x1024xf32>
    %dot_general3A_9 = tpu.matmul %get3A_1, %get3A_4, %dot_general3A {dimension_numbers = #tpu.dot_dimension_numbers<[1], [1], [0], [0], [0, 0, 1, 0], [], []>, transpose_lhs_hint = false} : vector<1024x256xf32>, vector<1024x256xf32>, vector<1024x1024xf32> -> vector<1024x1024xf32>
    %mul3A_10 = arith.constant 2.000000e+00 : f32
    %mul3A_11 = vector.broadcast %mul3A_10 : f32 to vector<1024x1024xf32>
    %mul3A_12 = arith.mulf %mul3A_11, %dot_general3A_9 : vector<1024x1024xf32>
    %sub3A = vector.broadcast %broadcast_in_dim3A : vector<1024x1xf32> to vector<1024x1024xf32>
    %sub3A_13 = arith.subf %sub3A, %mul3A_12 : vector<1024x1024xf32>
    %broadcast_in_dim3A_14 = vector.shape_cast %reduce_sum3A_8 : vector<1024xf32> to vector<1x1024xf32>
    %add3A = vector.broadcast %broadcast_in_dim3A_14 : vector<1x1024xf32> to vector<1024x1024xf32>
    %add3A_15 = arith.addf %sub3A_13, %add3A : vector<1024x1024xf32>
    %reduce_min3A = arith.constant dense<0x7F800000> : vector<1024xf32>
    %reduce_min3A_16 = vector.multi_reduction <minimumf>, %add3A_15, %reduce_min3A [1] : vector<1024x1024xf32> to vector<1024xf32>
    %broadcast_in_dim3A_17 = vector.shape_cast %reduce_min3A_16 : vector<1024xf32> to vector<1024x1xf32>
    %iota3A = tpu.iota {dimensions = array<i32: 1>} : vector<1024x1024xi32>
    %eq3A = vector.broadcast %broadcast_in_dim3A_17 : vector<1024x1xf32> to vector<1024x1024xf32>
    %eq3A_18 = arith.cmpf oeq, %add3A_15, %eq3A : vector<1024x1024xf32>
    %jit3A = arith.constant 1024 : i32
    %broadcast_in_dim3A_19 = vector.broadcast %jit3A : i32 to vector<1024x1024xi32>
    %select_n3A = arith.select %eq3A_18, %iota3A, %broadcast_in_dim3A_19 : vector<1024x1024xi1>, vector<1024x1024xi32>
    %reduce_min3A_20 = arith.constant dense<2147483647> : vector<1024xi32>
    %reduce_min3A_21 = vector.multi_reduction <minsi>, %select_n3A, %reduce_min3A_20 [1] : vector<1024x1024xi32> to vector<1024xi32>
    %swap3A = arith.constant 0 : index
    %swap3A_22 = vector.load %arg3[%swap3A] : memref<1024xi32, #tpu.memory_space<vmem>>, vector<1024xi32>
    tpu.vector_store %arg3[%swap3A], %reduce_min3A_21 {strides = array<i32>} : memref<1024xi32, #tpu.memory_space<vmem>>, vector<1024xi32>,
    %eq3A_23 = arith.constant 0 : i32
    %eq3A_24 = arith.cmpi eq, %arg0, %eq3A_23 : i32
    %convert_element_type3A = arith.extui %eq3A_24 : i1 to i32
    %cond3A = arith.constant 0 : i32
    %cond3A_25 = arith.cmpi ne, %convert_element_type3A, %cond3A : i32
    scf.if %cond3A_25 {
      %broadcast_in_dim3A_39 = arith.constant 0.000000e+00 : f32
      %broadcast_in_dim3A_40 = vector.broadcast %broadcast_in_dim3A_39 : f32 to vector<1x1xf32>
      %swap3A_41 = arith.constant 0 : index
      %swap3A_42 = arith.constant 0 : index
      %swap3A_43 = vector.load %arg4[%swap3A_41, %swap3A_42] : memref<1x1xf32, #tpu.memory_space<vmem>>, vector<1x1xf32>
      tpu.vector_store %arg4[%swap3A_41, %swap3A_42], %broadcast_in_dim3A_40 {strides = array<i32>} : memref<1x1xf32, #tpu.memory_space<vmem>>, vector<1x1xf32>,
    } else {
    }
    %get3A_26 = arith.constant 0 : index
    %get3A_27 = arith.constant 0 : index
    %get3A_28 = vector.load %arg4[%get3A_26, %get3A_27] : memref<1x1xf32, #tpu.memory_space<vmem>>, vector<1x1xf32>
    %reduce_sum3A_29 = vector.shape_cast %broadcast_in_dim3A_17 : vector<1024x1xf32> to vector<1x1024x1xf32>
    %reduce_sum3A_30 = arith.constant dense<0.000000e+00> : vector<1xf32>
    %reduce_sum3A_31 = vector.multi_reduction <add>, %reduce_sum3A_29, %reduce_sum3A_30 [1, 2] : vector<1x1024x1xf32> to vector<1xf32>
    %reduce_sum3A_32 = vector.shape_cast %reduce_sum3A_31 : vector<1xf32> to vector<1x1x1xf32>
    %reduce_sum3A_33 = vector.extract %reduce_sum3A_32[0, 0, 0] : f32 from vector<1x1x1xf32>
    %broadcast_in_dim3A_34 = vector.broadcast %reduce_sum3A_33 : f32 to vector<1x1xf32>
    %add3A_35 = arith.addf %get3A_28, %broadcast_in_dim3A_34 : vector<1x1xf32>
    %swap3A_36 = arith.constant 0 : index
    %swap3A_37 = arith.constant 0 : index
    %swap3A_38 = vector.load %arg4[%swap3A_36, %swap3A_37] : memref<1x1xf32, #tpu.memory_space<vmem>>, vector<1x1xf32>
    tpu.vector_store %arg4[%swap3A_36, %swap3A_37], %add3A_35 {strides = array<i32>} : memref<1x1xf32, #tpu.memory_space<vmem>>, vector<1x1xf32>,
    return
  }
  func.func @transform_0(%arg0: i32) -> (i32, i32) {
    %c0_i32 = arith.constant 0 : i32
    %c0_i32_0 = arith.constant 0 : i32
    return %arg0, %c0_i32 : i32, i32
  }
  func.func @transform_1(%arg0: i32) -> (i32, i32) {
    %c0_i32 = arith.constant 0 : i32
    %c0_i32_0 = arith.constant 0 : i32
    %c0_i32_1 = arith.constant 0 : i32
    return %c0_i32, %c0_i32_0 : i32, i32
  }
  func.func @transform_2(%arg0: i32) -> i32 {
    %c0_i32 = arith.constant 0 : i32
    return %arg0 : i32
  }
  func.func @transform_3(%arg0: i32) -> (i32, i32) {
    %c0_i32 = arith.constant 0 : i32
    %c0_i32_0 = arith.constant 0 : i32
    %c0_i32_1 = arith.constant 0 : i32
    return %c0_i32, %c0_i32_0 : i32, i32
  }
}

</mosaic_0001>

<sc_bundles>
// kernel: kernel.4.cloned.1.call-start
scs
__scs_entry_jumppad:
0x0: {  	(pc) =	sbr.rel $0x88, $3  }
0x1: {  	(tag) =	ssettag $0x0;
	lr =	simm.s32 $0x1  }
0x2: {  	[smem:$0x3F9F] =	sst lr;
	_ =	strace $0xD0000000  }
0x3: {  	_ = 	snop  }
0x4: {  	_ = 	snop  }
0x5: {  	_ = 	snop  }
0x6: {  	_ = 	snop  }
0x7: {  	_ = 	snop  }
__scs_overlays_trampoline_lowered:
0x8: {  	[smem:$0x3FAE] =	sst s0  }
0x9: {  	[smem:$0x3FAF] =	sst s1  }
0xa: {  	[smem:$0x3FB0] =	sst s2  }
0xb: {  	[smem:$0x3FB1] =	sst s3  }
0xc: {  	[smem:$0x3FB2] =	sst s4  }
0xd: {  	[smem:$0x3FB3] =	sst s5  }
0xe: {  	[smem:$0x3FB4] =	sst s6  }
0xf: {  	[smem:$0x3FB5] =	sst s7  }
0x10: {  	[smem:$0x3FB6] =	sst s8  }
0x11: {  	[smem:$0x3FB7] =	sst s9;
	s0 =	simm.s32 @!p0 $0x0  }
0x12: {  	s1 =	sld [smem:$0x3F9D];
	s0 =	simm.s32 @p0 $0x1  }
0x13: {  	[smem:$0x3FB8] =	sst s0;
	s0 =	simm.s32 @!p1 $0x0  }
0x14: {  	s2 =	sld [smem:$0x3F9C];
	s0 =	simm.s32 @p1 $0x1  }
0x15: {  	[smem:$0x3FB9] =	sst s0;
	s0 =	simm.s32 @!p2 $0x0  }
0x16: {  	s3 =	sld [smem:$0x3FDB];
	s0 =	simm.s32 @p2 $0x1  }
0x17: {  	s4 =	simm.s32 $0x1BF5;
	[smem:$0x3FBB] =	sst s0  }
0x18: {  	s0 =	sld [smem:$0x3F9E];
	_ =	swait.ge [sflag:s4], $0x0  }
0x19: {  	s7 =	sld [smem:$0x3F9F]  }
0x1a: {  	s8 =	sadd.s32 $0xFFFFE003, lr  }
0x1b: {  	s9 =	sadd.s32 $0xFFFFFEF7, lr;
	s5 =	simm.s32 $0xFFFFFFFF;
	p2 =	slt.u32 s8, $0xFFFFF086  }
0x1c: {  	p1 =	slt.u32 s9, $0xF7A;
	s5 =	simm.s32 @!p2 $0x0  }
0x1d: {  	s5 =	simm.s32 @p1 $0x1;
	p0 =	seq.s32 s7, s2  }
0x1e: {  	s7 =	smul.u32 @!p0 $0xF7A, s2;
	p2 =	seq.s32 @!p0 s5, $0x0  }
0x1f: {  	s9 =	smul.u32 $0xF7A, s1;
	s8 =	simm.s32 @!p0 $0x1BF5;
	p2 =	por !p2, p0  }
0x20: {  	[sflag:s8] =	ssyncset.s32 @!p0 $0xFFFFF086;
	s6 =	sadd.s32 @!p0 s3, s7;
	s7 =	simm.s32 @!p0 $0x108  }
0x21: {  	s3 =	sadd.s32 s3, s9;
	s6 =	sadd.s32 @!p0 $0x88, s6;
	s7 =	simm.s32 @p2 $0x1082  }
0x22: {  	[simem:s7], [sflag:s8] =	dma.local @!p0 [hbm:s6], $0xF7A  }
0x23: {  	s9 =	sor.u32 $0xD0000000, s2;
	s6 =	simm.s32 $0x108;
	_ =	swait.ge @!p0 [sflag:s8], $0x0  }
0x24: {  	s3 =	sadd.s32 $0x88, s3;
	s6 =	simm.s32 @!p1 $0x1082;
	[sflag:s4] =	ssyncset.s32 $0xFFFFF086  }
0x25: {  	[simem:s6], [sflag:s4] =	dma.local [hbm:s3], $0xF7A  }
0x26: {  	[smem:$0x3F9F] =	sst s1;
	(tag) =	ssettag s2;
	_ =	strace s9  }
0x27: {  	s1 =	sld [smem:$0x3FAF]  }
0x28: {  	s2 =	sld [smem:$0x3FB0]  }
0x29: {  	s4 =	sld [smem:$0x3FB2]  }
0x2a: {  	p0 =	seq.s32 s5, $0x0;
	s5 =	sld [smem:$0x3FB3]  }
0x2b: {  	s6 =	sld [smem:$0x3FB4]  }
0x2c: {  	s7 =	sld [smem:$0x3FB5]  }
0x2d: {  	s3 =	simm.s32 $0x108;
	s8 =	sld [smem:$0x3FB6]  }
0x2e: {  	s3 =	simm.s32 @!p0 $0x1082;
	s9 =	sld [smem:$0x3FB7]  }
0x2f: {  	lr =	sadd.s32 s0, s3;
	s0 =	sld [smem:$0x3FAE]  }
0x30: {  	s3 =	sld [smem:$0x3FB1]  }
0x31: {  	[smem:$0x3FBA] =	sst s10  }
0x32: {  	s10 =	sld [smem:$0x3FB8];
	_ =	sdelay $0x3  }
0x33: {  	p0 =	seq.s32 s10, $0x1;
	s10 =	sld [smem:$0x3FBA];
	_ =	sdelay $0x3  }
0x34: {  	[smem:$0x3FBA] =	sst s10  }
0x35: {  	s10 =	sld [smem:$0x3FB9];
	_ =	sdelay $0x3  }
0x36: {  	p1 =	seq.s32 s10, $0x1;
	s10 =	sld [smem:$0x3FBA];
	_ =	sdelay $0x3  }
0x37: {  	[smem:$0x3FBA] =	sst s10  }
0x38: {  	s10 =	sld [smem:$0x3FBB]  }
0x39: {  	_ = 	snop;
	(pc) =	sbr.ind lr, $3  }
0x3a: {  	_ = 	snop  }
0x3b: {  	_ = 	snop  }
0x3c: {  	p2 =	seq.s32 s10, $0x1;
	s10 =	sld [smem:$0x3FBA]  }
0x3d: {  	_ =	shalt  }
0x3e: {  	_ =	shalt  }
0x3f: {  	_ =	shalt  }
0x40: {  	_ =	shalt  }
0x41: {  	_ =	shalt  }
0x42: {  	_ =	shalt  }
0x43: {  	_ =	shalt  }
0x44: {  	_ =	shalt  }
0x45: {  	_ =	shalt  }
0x46: {  	_ =	shalt  }
0x47: {  	_ =	shalt  }
0x48: {  	_ =	shalt  }
0x49: {  	_ =	shalt  }
0x4a: {  	_ =	shalt  }
0x4b: {  	_ =	shalt  }
0x4c: {  	_ =	shalt  }
0x4d: {  	_ =	shalt  }
0x4e: {  	_ =	shalt  }
0x4f: {  	_ =	shalt  }
0x50: {  	_ =	shalt  }
0x51: {  	_ =	shalt  }
0x52: {  	_ =	shalt  }
0x53: {  	_ =	shalt  }
0x54: {  	_ =	shalt  }
0x55: {  	_ =	shalt  }
0x56: {  	_ =	shalt  }
0x57: {  	_ =	shalt  }
0x58: {  	_ =	shalt  }
0x59: {  	_ =	shalt  }
0x5a: {  	_ =	shalt  }
0x5b: {  	_ =	shalt  }
0x5c: {  	_ =	shalt  }
0x5d: {  	_ =	shalt  }
0x5e: {  	_ =	shalt  }
0x5f: {  	_ =	shalt  }
0x60: {  	_ =	shalt  }
0x61: {  	_ =	shalt  }
0x62: {  	_ =	shalt  }
0x63: {  	_ =	shalt  }
0x64: {  	_ =	shalt  }
0x65: {  	_ =	shalt  }
0x66: {  	_ =	shalt  }
0x67: {  	_ =	shalt  }
0x68: {  	_ =	shalt  }
0x69: {  	_ =	shalt  }
0x6a: {  	_ =	shalt  }
0x6b: {  	_ =	shalt  }
0x6c: {  	_ =	shalt  }
0x6d: {  	_ =	shalt  }
0x6e: {  	_ =	shalt  }
0x6f: {  	_ =	shalt  }
0x70: {  	_ =	shalt  }
0x71: {  	_ =	shalt  }
0x72: {  	_ =	shalt  }
0x73: {  	_ =	shalt  }
0x74: {  	_ =	shalt  }
0x75: {  	_ =	shalt  }
0x76: {  	_ =	shalt  }
0x77: {  	_ =	shalt  }
0x78: {  	_ =	shalt  }
0x79: {  	_ =	shalt  }
0x7a: {  	_ =	shalt  }
0x7b: {  	_ =	shalt  }
0x7c: {  	_ =	shalt  }
0x7d: {  	_ =	shalt  }
0x7e: {  	_ =	shalt  }
0x7f: {  	_ =	shalt  }
0x80: {  	_ =	shalt  }
0x81: {  	_ =	shalt  }
0x82: {  	_ =	shalt  }
0x83: {  	_ =	shalt  }
0x84: {  	_ =	shalt  }
0x85: {  	_ =	shalt  }
0x86: {  	_ =	shalt  }
0x87: {  	_ =	shalt  }
.Lfunc_end0:
.L_simem_size_0:
called_computation_lowered:
.L_overlay_start_0:
0x88: {  	s2 =	sld [smem:$0x3FD9]  }
0x89: {  	s3 =	sld [smem:$0x3FFE];
	_ =	sdelay $0x1  }
0x8a: {  	s1 =	srdreg.scid  }
0x8b: {  	s0 =	sand.u32 $0x1, s1  }
0x8c: {  	s14 =	sshll.u32 s0, $0xA;
	s2 =	sadd.s32 s3, s2  }
0x8d: {  	s2 =	sadd.s32 s2, s14  }
0x8e: {  	[smem:$0x3FC6] =	sst s2  }
0x8f: {  	_ = 	snop  }
0x90: {  	s2 =	sld [smem:$0x3FD0];
	_ =	sdelay $0x2  }
0x91: {  	s4 =	simm.s32 $0xA;
	s5 =	simm.s32 $0x10;
	s15 =	sld [smem:$0x3FC8]  }
0x92: {  	[smem:s5], [sflag:s4] =	dma.local [hbm:s2], $0x1  }
0x93: {  	_ =	swait.eq [sflag:s4], $0x1  }
0x94: {  	[sflag:s4] =	ssyncset.done $0x0  }
0x95: {  	[sflag:s4] =	ssyncadd.s32 $0xFFFFFFFF  }
0x96: {  	s16 =	sld [smem:$0x10];
	(tm) =	ssettm $0x1  }
0x97: {  	s17 =	sld [smem:$0x3FFB];
	_ =	sdelay $0x3  }
0x98: {  	_ =	strace s17  }
0x99: {  	s4 =	sld [smem:$0x3FFC];
	_ =	sdelay $0x3  }
0x9a: {  	_ =	strace s4  }
0x9b: {  	s4 =	sld [smem:$0x3FFD];
	_ =	sdelay $0x3  }
0x9c: {  	_ =	strace s4  }
0x9d: {  	_ =	strace $0x8FFFFFFF  }
0x9e: {  	s18 =	sld [smem:$0x3FDB];
	_ =	sdelay $0x1  }
0x9f: {  	s19 =	simm.s32 $_scs_section_size  }
0xa0: {  	s6 =	simm.s32 $_size__tile_overlayer_lowered;
	s7 =	simm.s32 $_tile_overlayer_lowered  }
0xa1: {  	s22 =	simm.s32 $0x1BFF;
	s21 =	sshll.u32 s7, $0x1;
	s4 =	sadd.s32 s19, s18  }
0xa2: {  	s8 =	simm.s32 $0x0;
	s20 =	sshll.u32 s6, $0x1;
	s6 =	sadd.s32 s21, s4  }
0xa3: {  	[timem:s8], [sflag:s22] =	dma.local [hbm:s6], s20  }
0xa4: {  	_ =	swait.ge [sflag:s22], s20  }
0xa5: {  	s5 =	ssub.s32 $0x0, s20;
	[sflag:s22] =	ssyncset.done $0x0  }
0xa6: {  	[sflag:s22] =	ssyncadd.s32 s5;
	_ =	sdelay $0x1  }
0xa7: {  	s23 =	simm.s32 $0x1B8B  }
0xa8: {  	_ =	swait.ge [sflag:s23], $0x1  }
0xa9: {  	[sflag:s23] =	ssyncset.done $0x0  }
0xaa: {  	s25 =	simm.s32 $0x1B8E;
	s24 =	sld [smem:$0x3FFE];
	[sflag:s23] =	ssyncadd.s32 $0xFFFFFFFF  }
0xab: {  	s26 =	simm.s32 $execute0_lowered;
	[smem:$0x3FD2] =	sst s25  }
0xac: {  	s6 =	sshll.u32 s26, $0x1;
	_ =	strace $0x80000046;
	[dreg:$0x1] =	wrdreg $0xFFFFFFFF  }
0xad: {  	s28 =	simm.s32 $_size_execute0_lowered;
	s4 =	sadd.s32 s4, s6;
	[dreg:$0x0] =	wrdreg $0x0  }
0xae: {  	s6 =	sshll.u32 s28, $0x1;
	[dreg:$0x2] =	wrdreg s4  }
0xaf: {  	[dreg:$0x3] =	wrdreg s6  }
0xb0: {  	[dreg:$0x4] =	wrdreg $0xC0  }
0xb1: {  	_ =	task [dreg:s8], $0x5FFFF  }
0xb2: {  	[dreg:$0x1] =	wrdreg $0xFFFFFFFF  }
0xb3: {  	[dreg:$0x0] =	wrdreg $0x60  }
0xb4: {  	[dreg:$0x2] =	wrdreg s15  }
0xb5: {  	[dreg:$0x3] =	wrdreg s24  }
0xb6: {  	[dreg:$0x4] =	wrdreg s16  }
0xb7: {  	[dreg:$0x5] =	wrdreg $0x9  }
0xb8: {  	_ =	task.clear_ibuf [dreg:s8], $0x6FFFF;
	_ =	strace $0x90000046  }
0xb9: {  	s29 =	simm.s32 $0x9;
	_ =	strace $0x80000048  }
0xba: {  	_ =	swait.ge [sflag:s29], $0x1  }
0xbb: {  	[sflag:s29] =	ssyncadd.s32 $0xFFFFFFFF  }
0xbc: {  	_ =	strace $0x90000048  }
0xbd: {  	_ =	sfence  }
0xbe: {  	s30 =	sld [smem:$0x0];
	_ =	sdelay $0x2  }
0xbf: {  	s31 =	sshll.u32 s1, $0xD;
	s1 =	sshrl.u32 s1, $0x2  }
0xc0: {  	s3 =	sand.u32 $0x4000, s31;
	s1 =	sadd.s32 s1, s30  }
0xc1: {  	s0 =	sor.u32 s3, s0;
	s1 =	sshll.u32 s1, $0x11  }
0xc2: {  	s0 =	sor.u32 s1, s0  }
0xc3: {  	s0 =	sadd.s32 $0x8F2B, s0  }
0xc4: {  	[sflag:s0] =	ssyncadd.remote.s32 $0x1  }
0xc5: {  	_ =	sfence.sel $0xFFFF  }
0xc6: {  	[dreg:$0x0] =	wrdreg $0xFFFFFFFF;
	(pc) =	sbr.abs _section_cstart, $3  }
0xc7: {  	[dreg:$0x1] =	wrdreg $0xFFFFFFFF  }
0xc8: {  	_ =	task.clear_ibuf [dreg:s8], $0x2FFFF;
	_ =	strace $0x9FFFFFFF  }
0xc9: {  	(tm) =	ssettm $0x7FFFFFFF  }
tec
execute0_lowered:
.L_overlay_start_1:
0x0: {  	(tag) =	ssettag $0x1  }
0x1: {  	s1 =	rddreg [dreg:$0x0]  }
0x2: {  	s0 =	srdreg.scid;
	s2 =	rddreg [dreg:$0x1]  }
0x3: {  	s3 =	stileid.u32;
	s4 =	rddreg [dreg:$0x2];
	s12 =	simm.s32 $0x1  }
0x4: {  	s14 =	simm.s32 $0xB00;
	s15 =	simm.s32 $0x1300;
	s16 =	simm.s32 $0x1B00  }
0x5: {  	s17 =	simm.s32 $0x2300;
	s18 =	simm.s32 $0x2B00;
	s19 =	simm.s32 $0x3300  }
0x6: {  	s20 =	simm.s32 $0x3B00;
	s21 =	simm.s32 $0x4300;
	s28 =	simm.s32 $0x7300  }
0x7: {  	s29 =	simm.s32 $0x7B00;
	s30 =	simm.s32 $0x8300;
	s31 =	simm.s32 $0x8B00  }
0x8: {  	s8 =	simm.s32 $0xAB00;
	s0 =	sand.u32 $0x1, s0;
	s3 =	sshll.u32 s3, $0x1  }
0x9: {  	s9 =	simm.s32 $0xB300;
	s10 =	simm.s32 $0xBB00;
	s5 =	sor.u32 s0, s3  }
0xa: {  	s11 =	simm.s32 $0xC300;
	s3 =	simm.s32 $0x0;
	s6 =	smul.u32 $0x60, s5  }
0xb: {  	s0 =	ssub.s32 $0x2, s0;
	[smem:$0x7FF] =	sst s3;
	s7 =	smul.u32 $0x30000, s5  }
0xc: {  	s5 =	smul.u32 $0x6000, s5;
	s24 =	sshrl.u32 s0, $0x1;
	_ =	strace $0x80000047  }
0xd: {  	s0 =	ssub.s32 s0, s24;
	s24 =	simm.s32 $0x5B00;
	s2 =	sadd.s32 s6, s2  }
0xe: {  	s22 =	sshrl.u32 s7, $0x3;
	s23 =	sadd.s32 s4, s5;
	s5 =	simm.s32 $0x2  }
0xf: {  	s7 =	simm.s32 $0xA300;
	s2 =	sadd.s32 $0xC00, s2;
	s4 =	sadd.s32 s4, s22  }
0x10: {  	[dreg:$0x5] =	wrdreg s23;
	s22 =	simm.s32 $0x4B00;
	s23 =	simm.s32 $0x5300  }
0x11: {  	v2 =	vlaneseq.u32;
	[dreg:$0x4] =	wrdreg s2;
	s25 =	sadd.s32 $0x2000, s4;
	s26 =	sadd.s32 $0x4000, s4  }
0x12: {  	vm0 =	vmmov $0xffff;
	v1 =	vshrl.u32 v2, $0x3;
	s4 =	smax.u32 s0, $0x1;
	s0 =	simm.s32 $0x300;
	[dreg:$0x6] =	wrdreg s25  }
0x13: {  	v0 =	vand.u32 $0x7, v2;
	v2 =	vor.u32 $0x8, v2;
	v1 =	vmul.u32 $0x8, v1;
	[dreg:$0x7] =	wrdreg s26;
	s25 =	simm.s32 $0x6300;
	s26 =	simm.s32 $0x6B00  }
.LBB2_1:
0x14: {  	s13 =	rddreg [dreg:$0x4]  }
0x15: {  	[tilespmem:s3], [sflag:$0x2] =	stream.linear.gather [hbm4b:s13+s3], $0x300, $0x38;
	[tilespmem:$0x10300] =	vst v63  }
0x16: {  	_ =	swait.ge [sflag:s5], $0x300  }
0x17: {  	[sflag:s5] =	ssyncset.done $0x0  }
0x18: {  	[sflag:s5] =	ssyncadd.s32 $0xFFFFFD00  }
0x19: {  	v3 =	vld [tilespmem:$0x0];
	_ =	sdelay $0x4  }
0x1a: {  	v4 =	vshll.u32 v3, $0x1  }
0x1b: {  	v3 =	vand.u32 $0x7, v3;
	v4 =	vand.u32 $0xFFFFFFF0, v4  }
0x1c: {  	v3 =	vor.u32 v3, v4  }
0x1d: {  	v4 =	vperm.xlane v3, v0;
	_ =	sdelay $0x1  }
0x1e: {  	v3 =	vperm.xlane v3, v2;
	v4 =	vadd.s32 v1, v4;
	_ =	sdelay $0x1  }
0x1f: {  	v3 =	vadd.s32 v1, v3;
	_ =	sdelay $0x2  }
0x20: {  	[tilespmem:s0], [sflag:$0x1] =	stream.indirect_vreg.gather [hbm4b:s1+s3], $0x80, v4, vm0, $0xb8;
	[tilespmem:$0x10300] =	vst v63  }
0x21: {  	_ = 	snop  }
0x22: {  	[tilespmem:s14], [sflag:$0x1] =	stream.indirect_vreg.gather [hbm4b:s1+s3], $0x80, v3, vm0, $0xb8;
	[tilespmem:$0x10300] =	vst v63  }
0x23: {  	v3 =	vld [tilespmem:$0x10];
	_ =	sdelay $0x4  }
0x24: {  	v17 =	vshll.u32 v3, $0x1  }
0x25: {  	v3 =	vand.u32 $0x7, v3;
	v4 =	vand.u32 $0xFFFFFFF0, v17  }
0x26: {  	v3 =	vor.u32 v3, v4  }
0x27: {  	v4 =	vperm.xlane v3, v0;
	_ =	sdelay $0x1  }
0x28: {  	v3 =	vperm.xlane v3, v2;
	v4 =	vadd.s32 v1, v4;
	_ =	sdelay $0x1  }
0x29: {  	v3 =	vadd.s32 v1, v3;
	_ =	sdelay $0x2  }
0x2a: {  	[tilespmem:s15], [sflag:$0x1] =	stream.indirect_vreg.gather [hbm4b:s1+s3], $0x80, v4, vm0, $0xb8;
	[tilespmem:$0x10300] =	vst v63  }
0x2b: {  	_ = 	snop  }
0x2c: {  	[tilespmem:s16], [sflag:$0x1] =	stream.indirect_vreg.gather [hbm4b:s1+s3], $0x80, v3, vm0, $0xb8;
	[tilespmem:$0x10300] =	vst v63  }
0x2d: {  	v3 =	vld [tilespmem:$0x20];
	_ =	sdelay $0x4  }
0x2e: {  	v18 =	vshll.u32 v3, $0x1  }
0x2f: {  	v3 =	vand.u32 $0x7, v3;
	v4 =	vand.u32 $0xFFFFFFF0, v18  }
0x30: {  	v3 =	vor.u32 v3, v4  }
0x31: {  	v4 =	vperm.xlane v3, v0;
	_ =	sdelay $0x1  }
0x32: {  	v3 =	vperm.xlane v3, v2;
	v4 =	vadd.s32 v1, v4;
	_ =	sdelay $0x1  }
0x33: {  	v3 =	vadd.s32 v1, v3;
	_ =	sdelay $0x2  }
0x34: {  	[tilespmem:s17], [sflag:$0x1] =	stream.indirect_vreg.gather [hbm4b:s1+s3], $0x80, v4, vm0, $0xb8;
	[tilespmem:$0x10300] =	vst v63  }
0x35: {  	_ = 	snop  }
0x36: {  	[tilespmem:s18], [sflag:$0x1] =	stream.indirect_vreg.gather [hbm4b:s1+s3], $0x80, v3, vm0, $0xb8;
	[tilespmem:$0x10300] =	vst v63  }
0x37: {  	v3 =	vld [tilespmem:$0x30];
	_ =	sdelay $0x4  }
0x38: {  	v19 =	vshll.u32 v3, $0x1  }
0x39: {  	v3 =	vand.u32 $0x7, v3;
	v4 =	vand.u32 $0xFFFFFFF0, v19  }
0x3a: {  	v3 =	vor.u32 v3, v4  }
0x3b: {  	v4 =	vperm.xlane v3, v0;
	_ =	sdelay $0x1  }
0x3c: {  	v3 =	vperm.xlane v3, v2;
	v4 =	vadd.s32 v1, v4;
	_ =	sdelay $0x1  }
0x3d: {  	v3 =	vadd.s32 v1, v3;
	_ =	sdelay $0x2  }
0x3e: {  	[tilespmem:s19], [sflag:$0x1] =	stream.indirect_vreg.gather [hbm4b:s1+s3], $0x80, v4, vm0, $0xb8;
	[tilespmem:$0x10300] =	vst v63  }
0x3f: {  	_ = 	snop  }
0x40: {  	[tilespmem:s20], [sflag:$0x1] =	stream.indirect_vreg.gather [hbm4b:s1+s3], $0x80, v3, vm0, $0xb8;
	[tilespmem:$0x10300] =	vst v63  }
0x41: {  	v3 =	vld [tilespmem:$0x40];
	_ =	sdelay $0x4  }
0x42: {  	v20 =	vshll.u32 v3, $0x1  }
0x43: {  	v3 =	vand.u32 $0x7, v3;
	v4 =	vand.u32 $0xFFFFFFF0, v20  }
0x44: {  	v3 =	vor.u32 v3, v4  }
0x45: {  	v4 =	vperm.xlane v3, v0;
	_ =	sdelay $0x1  }
0x46: {  	v3 =	vperm.xlane v3, v2;
	v4 =	vadd.s32 v1, v4;
	_ =	sdelay $0x1  }
0x47: {  	v3 =	vadd.s32 v1, v3;
	_ =	sdelay $0x2  }
0x48: {  	[tilespmem:s21], [sflag:$0x1] =	stream.indirect_vreg.gather [hbm4b:s1+s3], $0x80, v4, vm0, $0xb8;
	[tilespmem:$0x10300] =	vst v63  }
0x49: {  	_ = 	snop  }
0x4a: {  	[tilespmem:s22], [sflag:$0x1] =	stream.indirect_vreg.gather [hbm4b:s1+s3], $0x80, v3, vm0, $0xb8;
	[tilespmem:$0x10300] =	vst v63  }
0x4b: {  	v3 =	vld [tilespmem:$0x50];
	_ =	sdelay $0x4  }
0x4c: {  	v21 =	vshll.u32 v3, $0x1  }
0x4d: {  	v3 =	vand.u32 $0x7, v3;
	v4 =	vand.u32 $0xFFFFFFF0, v21  }
0x4e: {  	v3 =	vor.u32 v3, v4  }
0x4f: {  	v4 =	vperm.xlane v3, v0;
	_ =	sdelay $0x1  }
0x50: {  	v3 =	vperm.xlane v3, v2;
	v4 =	vadd.s32 v1, v4;
	_ =	sdelay $0x1  }
0x51: {  	v3 =	vadd.s32 v1, v3;
	_ =	sdelay $0x2  }
0x52: {  	[tilespmem:s23], [sflag:$0x1] =	stream.indirect_vreg.gather [hbm4b:s1+s3], $0x80, v4, vm0, $0xb8;
	[tilespmem:$0x10300] =	vst v63  }
0x53: {  	_ = 	snop  }
0x54: {  	[tilespmem:s24], [sflag:$0x1] =	stream.indirect_vreg.gather [hbm4b:s1+s3], $0x80, v3, vm0, $0xb8;
	[tilespmem:$0x10300] =	vst v63  }
0x55: {  	v3 =	vld [tilespmem:$0x60];
	_ =	sdelay $0x4  }
0x56: {  	v22 =	vshll.u32 v3, $0x1  }
0x57: {  	v3 =	vand.u32 $0x7, v3;
	v4 =	vand.u32 $0xFFFFFFF0, v22  }
0x58: {  	v3 =	vor.u32 v3, v4  }
0x59: {  	v4 =	vperm.xlane v3, v0;
	_ =	sdelay $0x1  }
0x5a: {  	v3 =	vperm.xlane v3, v2;
	v4 =	vadd.s32 v1, v4;
	_ =	sdelay $0x1  }
0x5b: {  	v3 =	vadd.s32 v1, v3;
	_ =	sdelay $0x2  }
0x5c: {  	[tilespmem:s25], [sflag:$0x1] =	stream.indirect_vreg.gather [hbm4b:s1+s3], $0x80, v4, vm0, $0xb8;
	[tilespmem:$0x10300] =	vst v63  }
0x5d: {  	_ = 	snop  }
0x5e: {  	[tilespmem:s26], [sflag:$0x1] =	stream.indirect_vreg.gather [hbm4b:s1+s3], $0x80, v3, vm0, $0xb8;
	[tilespmem:$0x10300] =	vst v63  }
0x5f: {  	v3 =	vld [tilespmem:$0x70];
	_ =	sdelay $0x4  }
0x60: {  	v23 =	vshll.u32 v3, $0x1  }
0x61: {  	v3 =	vand.u32 $0x7, v3;
	v4 =	vand.u32 $0xFFFFFFF0, v23  }
0x62: {  	v3 =	vor.u32 v3, v4  }
0x63: {  	v4 =	vperm.xlane v3, v0;
	_ =	sdelay $0x1  }
0x64: {  	v3 =	vperm.xlane v3, v2;
	v4 =	vadd.s32 v1, v4;
	_ =	sdelay $0x1  }
0x65: {  	v3 =	vadd.s32 v1, v3;
	_ =	sdelay $0x2  }
0x66: {  	[tilespmem:s28], [sflag:$0x1] =	stream.indirect_vreg.gather [hbm4b:s1+s3], $0x80, v4, vm0, $0xb8;
	[tilespmem:$0x10300] =	vst v63  }
0x67: {  	_ = 	snop  }
0x68: {  	[tilespmem:s29], [sflag:$0x1] =	stream.indirect_vreg.gather [hbm4b:s1+s3], $0x80, v3, vm0, $0xb8;
	[tilespmem:$0x10300] =	vst v63  }
0x69: {  	v3 =	vld [tilespmem:$0x80];
	_ =	sdelay $0x4  }
0x6a: {  	v24 =	vshll.u32 v3, $0x1  }
0x6b: {  	v3 =	vand.u32 $0x7, v3;
	v4 =	vand.u32 $0xFFFFFFF0, v24  }
0x6c: {  	v3 =	vor.u32 v3, v4  }
0x6d: {  	v4 =	vperm.xlane v3, v0;
	_ =	sdelay $0x1  }
0x6e: {  	v3 =	vperm.xlane v3, v2;
	v4 =	vadd.s32 v1, v4;
	_ =	sdelay $0x1  }
0x6f: {  	v3 =	vadd.s32 v1, v3;
	_ =	sdelay $0x2  }
0x70: {  	[tilespmem:s30], [sflag:$0x1] =	stream.indirect_vreg.gather [hbm4b:s1+s3], $0x80, v4, vm0, $0xb8;
	[tilespmem:$0x10300] =	vst v63  }
0x71: {  	_ = 	snop  }
0x72: {  	[tilespmem:s31], [sflag:$0x1] =	stream.indirect_vreg.gather [hbm4b:s1+s3], $0x80, v3, vm0, $0xb8;
	[tilespmem:$0x10300] =	vst v63  }
0x73: {  	v3 =	vld [tilespmem:$0x90];
	_ =	sdelay $0x4  }
0x74: {  	v25 =	vshll.u32 v3, $0x1  }
0x75: {  	v3 =	vand.u32 $0x7, v3;
	v4 =	vand.u32 $0xFFFFFFF0, v25  }
0x76: {  	v3 =	vor.u32 v3, v4  }
0x77: {  	v4 =	vperm.xlane v3, v0;
	_ =	sdelay $0x1  }
0x78: {  	v3 =	vperm.xlane v3, v2;
	v4 =	vadd.s32 v1, v4;
	_ =	sdelay $0x1  }
0x79: {  	v3 =	vadd.s32 v1, v3;
	_ =	sdelay $0x1  }
0x7a: {  	s2 =	simm.s32 $0x9300  }
0x7b: {  	[tilespmem:s2], [sflag:$0x1] =	stream.indirect_vreg.gather [hbm4b:s1+s3], $0x80, v4, vm0, $0xb8;
	[tilespmem:$0x10300] =	vst v63  }
0x7c: {  	s6 =	simm.s32 $0x9B00  }
0x7d: {  	[tilespmem:s6], [sflag:$0x1] =	stream.indirect_vreg.gather [hbm4b:s1+s3], $0x80, v3, vm0, $0xb8;
	[tilespmem:$0x10300] =	vst v63  }
0x7e: {  	v3 =	vld [tilespmem:$0xA0];
	_ =	sdelay $0x4  }
0x7f: {  	v26 =	vshll.u32 v3, $0x1  }
0x80: {  	v3 =	vand.u32 $0x7, v3;
	v4 =	vand.u32 $0xFFFFFFF0, v26  }
0x81: {  	v3 =	vor.u32 v3, v4  }
0x82: {  	v4 =	vperm.xlane v3, v0;
	_ =	sdelay $0x1  }
0x83: {  	v3 =	vperm.xlane v3, v2;
	v4 =	vadd.s32 v1, v4;
	_ =	sdelay $0x1  }
0x84: {  	v3 =	vadd.s32 v1, v3;
	_ =	sdelay $0x2  }
0x85: {  	[tilespmem:s7], [sflag:$0x1] =	stream.indirect_vreg.gather [hbm4b:s1+s3], $0x80, v4, vm0, $0xb8;
	[tilespmem:$0x10300] =	vst v63  }
0x86: {  	_ = 	snop  }
0x87: {  	[tilespmem:s8], [sflag:$0x1] =	stream.indirect_vreg.gather [hbm4b:s1+s3], $0x80, v3, vm0, $0xb8;
	[tilespmem:$0x10300] =	vst v63  }
0x88: {  	v3 =	vld [tilespmem:$0xB0];
	_ =	sdelay $0x4  }
0x89: {  	v27 =	vshll.u32 v3, $0x1  }
0x8a: {  	v3 =	vand.u32 $0x7, v3;
	v4 =	vand.u32 $0xFFFFFFF0, v27  }
0x8b: {  	v3 =	vor.u32 v3, v4  }
0x8c: {  	v4 =	vperm.xlane v3, v0;
	_ =	sdelay $0x1  }
0x8d: {  	v3 =	vperm.xlane v3, v2;
	v4 =	vadd.s32 v1, v4;
	_ =	sdelay $0x1  }
0x8e: {  	v3 =	vadd.s32 v1, v3;
	_ =	sdelay $0x2  }
0x8f: {  	[tilespmem:s9], [sflag:$0x1] =	stream.indirect_vreg.gather [hbm4b:s1+s3], $0x80, v4, vm0, $0xb8;
	[tilespmem:$0x10300] =	vst v63  }
0x90: {  	_ = 	snop  }
0x91: {  	[tilespmem:s10], [sflag:$0x1] =	stream.indirect_vreg.gather [hbm4b:s1+s3], $0x80, v3, vm0, $0xb8;
	[tilespmem:$0x10300] =	vst v63  }
0x92: {  	v3 =	vld [tilespmem:$0xC0];
	_ =	sdelay $0x4  }
0x93: {  	v28 =	vshll.u32 v3, $0x1  }
0x94: {  	v3 =	vand.u32 $0x7, v3;
	v4 =	vand.u32 $0xFFFFFFF0, v28  }
0x95: {  	v3 =	vor.u32 v3, v4  }
0x96: {  	v4 =	vperm.xlane v3, v0;
	_ =	sdelay $0x1  }
0x97: {  	v3 =	vperm.xlane v3, v2;
	v4 =	vadd.s32 v1, v4;
	_ =	sdelay $0x1  }
0x98: {  	v3 =	vadd.s32 v1, v3;
	_ =	sdelay $0x2  }
0x99: {  	[tilespmem:s11], [sflag:$0x1] =	stream.indirect_vreg.gather [hbm4b:s1+s3], $0x80, v4, vm0, $0xb8;
	[tilespmem:$0x10300] =	vst v63  }
0x9a: {  	s6 =	simm.s32 $0xCB00  }
0x9b: {  	[tilespmem:s6], [sflag:$0x1] =	stream.indirect_vreg.gather [hbm4b:s1+s3], $0x80, v3, vm0, $0xb8;
	[tilespmem:$0x10300] =	vst v63  }
0x9c: {  	v3 =	vld [tilespmem:$0xD0];
	_ =	sdelay $0x4  }
0x9d: {  	v29 =	vshll.u32 v3, $0x1  }
0x9e: {  	v3 =	vand.u32 $0x7, v3;
	v4 =	vand.u32 $0xFFFFFFF0, v29  }
0x9f: {  	v3 =	vor.u32 v3, v4  }
0xa0: {  	v4 =	vperm.xlane v3, v0;
	_ =	sdelay $0x1  }
0xa1: {  	v3 =	vperm.xlane v3, v2;
	v4 =	vadd.s32 v1, v4;
	_ =	sdelay $0x1  }
0xa2: {  	v3 =	vadd.s32 v1, v3;
	_ =	sdelay $0x1  }
0xa3: {  	s13 =	simm.s32 $0xD300  }
0xa4: {  	[tilespmem:s13], [sflag:$0x1] =	stream.indirect_vreg.gather [hbm4b:s1+s3], $0x80, v4, vm0, $0xb8;
	[tilespmem:$0x10300] =	vst v63  }
0xa5: {  	s13 =	simm.s32 $0xDB00  }
0xa6: {  	[tilespmem:s13], [sflag:$0x1] =	stream.indirect_vreg.gather [hbm4b:s1+s3], $0x80, v3, vm0, $0xb8;
	[tilespmem:$0x10300] =	vst v63  }
0xa7: {  	v3 =	vld [tilespmem:$0xE0];
	_ =	sdelay $0x4  }
0xa8: {  	v30 =	vshll.u32 v3, $0x1  }
0xa9: {  	v3 =	vand.u32 $0x7, v3;
	v4 =	vand.u32 $0xFFFFFFF0, v30  }
0xaa: {  	v3 =	vor.u32 v3, v4  }
0xab: {  	v4 =	vperm.xlane v3, v0;
	_ =	sdelay $0x1  }
0xac: {  	v3 =	vperm.xlane v3, v2;
	v4 =	vadd.s32 v1, v4;
	_ =	sdelay $0x1  }
0xad: {  	v3 =	vadd.s32 v1, v3;
	_ =	sdelay $0x1  }
0xae: {  	s13 =	simm.s32 $0xE300  }
0xaf: {  	[tilespmem:s13], [sflag:$0x1] =	stream.indirect_vreg.gather [hbm4b:s1+s3], $0x80, v4, vm0, $0xb8;
	[tilespmem:$0x10300] =	vst v63  }
0xb0: {  	s13 =	simm.s32 $0xEB00  }
0xb1: {  	[tilespmem:s13], [sflag:$0x1] =	stream.indirect_vreg.gather [hbm4b:s1+s3], $0x80, v3, vm0, $0xb8;
	[tilespmem:$0x10300] =	vst v63  }
0xb2: {  	v3 =	vld [tilespmem:$0xF0];
	_ =	sdelay $0x4  }
0xb3: {  	v31 =	vshll.u32 v3, $0x1  }
0xb4: {  	v3 =	vand.u32 $0x7, v3;
	v4 =	vand.u32 $0xFFFFFFF0, v31  }
0xb5: {  	v3 =	vor.u32 v3, v4  }
0xb6: {  	v4 =	vperm.xlane v3, v0;
	_ =	sdelay $0x1  }
0xb7: {  	v3 =	vperm.xlane v3, v2;
	v4 =	vadd.s32 v1, v4;
	_ =	sdelay $0x1  }
0xb8: {  	v3 =	vadd.s32 v1, v3;
	_ =	sdelay $0x1  }
0xb9: {  	s13 =	simm.s32 $0xF300  }
0xba: {  	[tilespmem:s13], [sflag:$0x1] =	stream.indirect_vreg.gather [hbm4b:s1+s3], $0x80, v4, vm0, $0xb8;
	[tilespmem:$0x10300] =	vst v63  }
0xbb: {  	s13 =	simm.s32 $0xFB00  }
0xbc: {  	[tilespmem:s13], [sflag:$0x1] =	stream.indirect_vreg.gather [hbm4b:s1+s3], $0x80, v3, vm0, $0xb8;
	[tilespmem:$0x10300] =	vst v63  }
0xbd: {  	_ =	swait.ge [sflag:s12], $0x10000  }
0xbe: {  	[sflag:s12] =	ssyncset.done $0x0  }
0xbf: {  	s13 =	rddreg [dreg:$0x5];
	[sflag:s12] =	ssyncadd.s32 $0xFFFF0000  }
0xc0: {  	[hbm4b:s13+s3] =	stream.linear.scatter [tilespmem:s0], [sflag:$0x2], $0x10000, $0x38;
	[tilespmem:$0x10300] =	vst v63  }
0xc1: {  	_ =	swait.ge [sflag:s5], $0x10000  }
0xc2: {  	[sflag:s5] =	ssyncset.done $0x0  }
0xc3: {  	[sflag:s5] =	ssyncadd.s32 $0xFFFF0000  }
0xc4: {  	v3 =	vld [tilespmem:$0x100];
	_ =	sdelay $0x4  }
0xc5: {  	v32 =	vshll.u32 v3, $0x1  }
0xc6: {  	v3 =	vand.u32 $0x7, v3;
	v4 =	vand.u32 $0xFFFFFFF0, v32  }
0xc7: {  	v3 =	vor.u32 v3, v4  }
0xc8: {  	v4 =	vperm.xlane v3, v0;
	_ =	sdelay $0x1  }
0xc9: {  	v3 =	vperm.xlane v3, v2;
	v4 =	vadd.s32 v1, v4;
	_ =	sdelay $0x1  }
0xca: {  	v3 =	vadd.s32 v1, v3;
	_ =	sdelay $0x2  }
0xcb: {  	[tilespmem:s0], [sflag:$0x1] =	stream.indirect_vreg.gather [hbm4b:s1+s3], $0x80, v4, vm0, $0xb8;
	[tilespmem:$0x10300] =	vst v63  }
0xcc: {  	_ = 	snop  }
0xcd: {  	[tilespmem:s14], [sflag:$0x1] =	stream.indirect_vreg.gather [hbm4b:s1+s3], $0x80, v3, vm0, $0xb8;
	[tilespmem:$0x10300] =	vst v63  }
0xce: {  	v3 =	vld [tilespmem:$0x110];
	_ =	sdelay $0x4  }
0xcf: {  	v33 =	vshll.u32 v3, $0x1  }
0xd0: {  	v3 =	vand.u32 $0x7, v3;
	v4 =	vand.u32 $0xFFFFFFF0, v33  }
0xd1: {  	v3 =	vor.u32 v3, v4  }
0xd2: {  	v4 =	vperm.xlane v3, v0;
	_ =	sdelay $0x1  }
0xd3: {  	v3 =	vperm.xlane v3, v2;
	v4 =	vadd.s32 v1, v4;
	_ =	sdelay $0x1  }
0xd4: {  	v3 =	vadd.s32 v1, v3;
	_ =	sdelay $0x2  }
0xd5: {  	[tilespmem:s15], [sflag:$0x1] =	stream.indirect_vreg.gather [hbm4b:s1+s3], $0x80, v4, vm0, $0xb8;
	[tilespmem:$0x10300] =	vst v63  }
0xd6: {  	_ = 	snop  }
0xd7: {  	[tilespmem:s16], [sflag:$0x1] =	stream.indirect_vreg.gather [hbm4b:s1+s3], $0x80, v3, vm0, $0xb8;
	[tilespmem:$0x10300] =	vst v63  }
0xd8: {  	v3 =	vld [tilespmem:$0x120];
	_ =	sdelay $0x4  }
0xd9: {  	v34 =	vshll.u32 v3, $0x1  }
0xda: {  	v3 =	vand.u32 $0x7, v3;
	v4 =	vand.u32 $0xFFFFFFF0, v34  }
0xdb: {  	v3 =	vor.u32 v3, v4  }
0xdc: {  	v4 =	vperm.xlane v3, v0;
	_ =	sdelay $0x1  }
0xdd: {  	v3 =	vperm.xlane v3, v2;
	v4 =	vadd.s32 v1, v4;
	_ =	sdelay $0x1  }
0xde: {  	v3 =	vadd.s32 v1, v3;
	_ =	sdelay $0x2  }
0xdf: {  	[tilespmem:s17], [sflag:$0x1] =	stream.indirect_vreg.gather [hbm4b:s1+s3], $0x80, v4, vm0, $0xb8;
	[tilespmem:$0x10300] =	vst v63  }
0xe0: {  	_ = 	snop  }
0xe1: {  	[tilespmem:s18], [sflag:$0x1] =	stream.indirect_vreg.gather [hbm4b:s1+s3], $0x80, v3, vm0, $0xb8;
	[tilespmem:$0x10300] =	vst v63  }
0xe2: {  	v3 =	vld [tilespmem:$0x130];
	_ =	sdelay $0x4  }
0xe3: {  	v35 =	vshll.u32 v3, $0x1  }
0xe4: {  	v3 =	vand.u32 $0x7, v3;
	v4 =	vand.u32 $0xFFFFFFF0, v35  }
0xe5: {  	v3 =	vor.u32 v3, v4  }
0xe6: {  	v4 =	vperm.xlane v3, v0;
	_ =	sdelay $0x1  }
0xe7: {  	v3 =	vperm.xlane v3, v2;
	v4 =	vadd.s32 v1, v4;
	_ =	sdelay $0x1  }
0xe8: {  	v3 =	vadd.s32 v1, v3;
	_ =	sdelay $0x2  }
0xe9: {  	[tilespmem:s19], [sflag:$0x1] =	stream.indirect_vreg.gather [hbm4b:s1+s3], $0x80, v4, vm0, $0xb8;
	[tilespmem:$0x10300] =	vst v63  }
0xea: {  	_ = 	snop  }
0xeb: {  	[tilespmem:s20], [sflag:$0x1] =	stream.indirect_vreg.gather [hbm4b:s1+s3], $0x80, v3, vm0, $0xb8;
	[tilespmem:$0x10300] =	vst v63  }
0xec: {  	v3 =	vld [tilespmem:$0x140];
	_ =	sdelay $0x4  }
0xed: {  	v36 =	vshll.u32 v3, $0x1  }
0xee: {  	v3 =	vand.u32 $0x7, v3;
	v4 =	vand.u32 $0xFFFFFFF0, v36  }
0xef: {  	v3 =	vor.u32 v3, v4  }
0xf0: {  	v4 =	vperm.xlane v3, v0;
	_ =	sdelay $0x1  }
0xf1: {  	v3 =	vperm.xlane v3, v2;
	v4 =	vadd.s32 v1, v4;
	_ =	sdelay $0x1  }
0xf2: {  	v3 =	vadd.s32 v1, v3;
	_ =	sdelay $0x2  }
0xf3: {  	[tilespmem:s21], [sflag:$0x1] =	stream.indirect_vreg.gather [hbm4b:s1+s3], $0x80, v4, vm0, $0xb8;
	[tilespmem:$0x10300] =	vst v63  }
0xf4: {  	_ = 	snop  }
0xf5: {  	[tilespmem:s22], [sflag:$0x1] =	stream.indirect_vreg.gather [hbm4b:s1+s3], $0x80, v3, vm0, $0xb8;
	[tilespmem:$0x10300] =	vst v63  }
0xf6: {  	v3 =	vld [tilespmem:$0x150];
	_ =	sdelay $0x4  }
0xf7: {  	v37 =	vshll.u32 v3, $0x1  }
0xf8: {  	v3 =	vand.u32 $0x7, v3;
	v4 =	vand.u32 $0xFFFFFFF0, v37  }
0xf9: {  	v3 =	vor.u32 v3, v4  }
0xfa: {  	v4 =	vperm.xlane v3, v0;
	_ =	sdelay $0x1  }
0xfb: {  	v3 =	vperm.xlane v3, v2;
	v4 =	vadd.s32 v1, v4;
	_ =	sdelay $0x1  }
0xfc: {  	v3 =	vadd.s32 v1, v3;
	_ =	sdelay $0x2  }
0xfd: {  	[tilespmem:s23], [sflag:$0x1] =	stream.indirect_vreg.gather [hbm4b:s1+s3], $0x80, v4, vm0, $0xb8;
	[tilespmem:$0x10300] =	vst v63  }
0xfe: {  	_ = 	snop  }
0xff: {  	[tilespmem:s24], [sflag:$0x1] =	stream.indirect_vreg.gather [hbm4b:s1+s3], $0x80, v3, vm0, $0xb8;
	[tilespmem:$0x10300] =	vst v63  }
0x100: {  	v3 =	vld [tilespmem:$0x160];
	_ =	sdelay $0x4  }
0x101: {  	v38 =	vshll.u32 v3, $0x1  }
0x102: {  	v3 =	vand.u32 $0x7, v3;
	v4 =	vand.u32 $0xFFFFFFF0, v38  }
0x103: {  	v3 =	vor.u32 v3, v4  }
0x104: {  	v4 =	vperm.xlane v3, v0;
	_ =	sdelay $0x1  }
0x105: {  	v3 =	vperm.xlane v3, v2;
	v4 =	vadd.s32 v1, v4;
	_ =	sdelay $0x1  }
0x106: {  	v3 =	vadd.s32 v1, v3;
	_ =	sdelay $0x2  }
0x107: {  	[tilespmem:s25], [sflag:$0x1] =	stream.indirect_vreg.gather [hbm4b:s1+s3], $0x80, v4, vm0, $0xb8;
	[tilespmem:$0x10300] =	vst v63  }
0x108: {  	_ = 	snop  }
0x109: {  	[tilespmem:s26], [sflag:$0x1] =	stream.indirect_vreg.gather [hbm4b:s1+s3], $0x80, v3, vm0, $0xb8;
	[tilespmem:$0x10300] =	vst v63  }
0x10a: {  	v3 =	vld [tilespmem:$0x170];
	_ =	sdelay $0x4  }
0x10b: {  	v39 =	vshll.u32 v3, $0x1  }
0x10c: {  	v3 =	vand.u32 $0x7, v3;
	v4 =	vand.u32 $0xFFFFFFF0, v39  }
0x10d: {  	v3 =	vor.u32 v3, v4  }
0x10e: {  	v4 =	vperm.xlane v3, v0;
	_ =	sdelay $0x1  }
0x10f: {  	v3 =	vperm.xlane v3, v2;
	v4 =	vadd.s32 v1, v4;
	_ =	sdelay $0x1  }
0x110: {  	v3 =	vadd.s32 v1, v3;
	_ =	sdelay $0x2  }
0x111: {  	[tilespmem:s28], [sflag:$0x1] =	stream.indirect_vreg.gather [hbm4b:s1+s3], $0x80, v4, vm0, $0xb8;
	[tilespmem:$0x10300] =	vst v63  }
0x112: {  	_ = 	snop  }
0x113: {  	[tilespmem:s29], [sflag:$0x1] =	stream.indirect_vreg.gather [hbm4b:s1+s3], $0x80, v3, vm0, $0xb8;
	[tilespmem:$0x10300] =	vst v63  }
0x114: {  	v3 =	vld [tilespmem:$0x180];
	_ =	sdelay $0x4  }
0x115: {  	v40 =	vshll.u32 v3, $0x1  }
0x116: {  	v3 =	vand.u32 $0x7, v3;
	v4 =	vand.u32 $0xFFFFFFF0, v40  }
0x117: {  	v3 =	vor.u32 v3, v4  }
0x118: {  	v4 =	vperm.xlane v3, v0;
	_ =	sdelay $0x1  }
0x119: {  	v3 =	vperm.xlane v3, v2;
	v4 =	vadd.s32 v1, v4;
	_ =	sdelay $0x1  }
0x11a: {  	v3 =	vadd.s32 v1, v3;
	_ =	sdelay $0x2  }
0x11b: {  	[tilespmem:s30], [sflag:$0x1] =	stream.indirect_vreg.gather [hbm4b:s1+s3], $0x80, v4, vm0, $0xb8;
	[tilespmem:$0x10300] =	vst v63  }
0x11c: {  	_ = 	snop  }
0x11d: {  	[tilespmem:s31], [sflag:$0x1] =	stream.indirect_vreg.gather [hbm4b:s1+s3], $0x80, v3, vm0, $0xb8;
	[tilespmem:$0x10300] =	vst v63  }
0x11e: {  	v3 =	vld [tilespmem:$0x190];
	_ =	sdelay $0x4  }
0x11f: {  	v41 =	vshll.u32 v3, $0x1  }
0x120: {  	v3 =	vand.u32 $0x7, v3;
	v4 =	vand.u32 $0xFFFFFFF0, v41  }
0x121: {  	v3 =	vor.u32 v3, v4  }
0x122: {  	v4 =	vperm.xlane v3, v0;
	_ =	sdelay $0x1  }
0x123: {  	v3 =	vperm.xlane v3, v2;
	v4 =	vadd.s32 v1, v4;
	_ =	sdelay $0x1  }
0x124: {  	v3 =	vadd.s32 v1, v3;
	_ =	sdelay $0x2  }
0x125: {  	[tilespmem:s2], [sflag:$0x1] =	stream.indirect_vreg.gather [hbm4b:s1+s3], $0x80, v4, vm0, $0xb8;
	[tilespmem:$0x10300] =	vst v63  }
0x126: {  	s13 =	simm.s32 $0x9B00  }
0x127: {  	[tilespmem:s13], [sflag:$0x1] =	stream.indirect_vreg.gather [hbm4b:s1+s3], $0x80, v3, vm0, $0xb8;
	[tilespmem:$0x10300] =	vst v63  }
0x128: {  	v3 =	vld [tilespmem:$0x1A0];
	_ =	sdelay $0x4  }
0x129: {  	v42 =	vshll.u32 v3, $0x1  }
0x12a: {  	v3 =	vand.u32 $0x7, v3;
	v4 =	vand.u32 $0xFFFFFFF0, v42  }
0x12b: {  	v3 =	vor.u32 v3, v4  }
0x12c: {  	v4 =	vperm.xlane v3, v0;
	_ =	sdelay $0x1  }
0x12d: {  	v3 =	vperm.xlane v3, v2;
	v4 =	vadd.s32 v1, v4;
	_ =	sdelay $0x1  }
0x12e: {  	v3 =	vadd.s32 v1, v3;
	_ =	sdelay $0x2  }
0x12f: {  	[tilespmem:s7], [sflag:$0x1] =	stream.indirect_vreg.gather [hbm4b:s1+s3], $0x80, v4, vm0, $0xb8;
	[tilespmem:$0x10300] =	vst v63  }
0x130: {  	_ = 	snop  }
0x131: {  	[tilespmem:s8], [sflag:$0x1] =	stream.indirect_vreg.gather [hbm4b:s1+s3], $0x80, v3, vm0, $0xb8;
	[tilespmem:$0x10300] =	vst v63  }
0x132: {  	v3 =	vld [tilespmem:$0x1B0];
	_ =	sdelay $0x4  }
0x133: {  	v43 =	vshll.u32 v3, $0x1  }
0x134: {  	v3 =	vand.u32 $0x7, v3;
	v4 =	vand.u32 $0xFFFFFFF0, v43  }
0x135: {  	v3 =	vor.u32 v3, v4  }
0x136: {  	v4 =	vperm.xlane v3, v0;
	_ =	sdelay $0x1  }
0x137: {  	v3 =	vperm.xlane v3, v2;
	v4 =	vadd.s32 v1, v4;
	_ =	sdelay $0x1  }
0x138: {  	v3 =	vadd.s32 v1, v3;
	_ =	sdelay $0x2  }
0x139: {  	[tilespmem:s9], [sflag:$0x1] =	stream.indirect_vreg.gather [hbm4b:s1+s3], $0x80, v4, vm0, $0xb8;
	[tilespmem:$0x10300] =	vst v63  }
0x13a: {  	_ = 	snop  }
0x13b: {  	[tilespmem:s10], [sflag:$0x1] =	stream.indirect_vreg.gather [hbm4b:s1+s3], $0x80, v3, vm0, $0xb8;
	[tilespmem:$0x10300] =	vst v63  }
0x13c: {  	v3 =	vld [tilespmem:$0x1C0];
	_ =	sdelay $0x4  }
0x13d: {  	v44 =	vshll.u32 v3, $0x1  }
0x13e: {  	v3 =	vand.u32 $0x7, v3;
	v4 =	vand.u32 $0xFFFFFFF0, v44  }
0x13f: {  	v3 =	vor.u32 v3, v4  }
0x140: {  	v4 =	vperm.xlane v3, v0;
	_ =	sdelay $0x1  }
0x141: {  	v3 =	vperm.xlane v3, v2;
	v4 =	vadd.s32 v1, v4;
	_ =	sdelay $0x1  }
0x142: {  	v3 =	vadd.s32 v1, v3;
	_ =	sdelay $0x2  }
0x143: {  	[tilespmem:s11], [sflag:$0x1] =	stream.indirect_vreg.gather [hbm4b:s1+s3], $0x80, v4, vm0, $0xb8;
	[tilespmem:$0x10300] =	vst v63  }
0x144: {  	_ = 	snop  }
0x145: {  	[tilespmem:s6], [sflag:$0x1] =	stream.indirect_vreg.gather [hbm4b:s1+s3], $0x80, v3, vm0, $0xb8;
	[tilespmem:$0x10300] =	vst v63  }
0x146: {  	v3 =	vld [tilespmem:$0x1D0];
	_ =	sdelay $0x4  }
0x147: {  	v45 =	vshll.u32 v3, $0x1  }
0x148: {  	v3 =	vand.u32 $0x7, v3;
	v4 =	vand.u32 $0xFFFFFFF0, v45  }
0x149: {  	v3 =	vor.u32 v3, v4  }
0x14a: {  	v4 =	vperm.xlane v3, v0;
	_ =	sdelay $0x1  }
0x14b: {  	v3 =	vperm.xlane v3, v2;
	v4 =	vadd.s32 v1, v4;
	_ =	sdelay $0x1  }
0x14c: {  	v3 =	vadd.s32 v1, v3;
	_ =	sdelay $0x1  }
0x14d: {  	s13 =	simm.s32 $0xD300  }
0x14e: {  	[tilespmem:s13], [sflag:$0x1] =	stream.indirect_vreg.gather [hbm4b:s1+s3], $0x80, v4, vm0, $0xb8;
	[tilespmem:$0x10300] =	vst v63  }
0x14f: {  	s13 =	simm.s32 $0xDB00  }
0x150: {  	[tilespmem:s13], [sflag:$0x1] =	stream.indirect_vreg.gather [hbm4b:s1+s3], $0x80, v3, vm0, $0xb8;
	[tilespmem:$0x10300] =	vst v63  }
0x151: {  	v3 =	vld [tilespmem:$0x1E0];
	_ =	sdelay $0x4  }
0x152: {  	v46 =	vshll.u32 v3, $0x1  }
0x153: {  	v3 =	vand.u32 $0x7, v3;
	v4 =	vand.u32 $0xFFFFFFF0, v46  }
0x154: {  	v3 =	vor.u32 v3, v4  }
0x155: {  	v4 =	vperm.xlane v3, v0;
	_ =	sdelay $0x1  }
0x156: {  	v3 =	vperm.xlane v3, v2;
	v4 =	vadd.s32 v1, v4;
	_ =	sdelay $0x1  }
0x157: {  	v3 =	vadd.s32 v1, v3;
	_ =	sdelay $0x1  }
0x158: {  	s13 =	simm.s32 $0xE300  }
0x159: {  	[tilespmem:s13], [sflag:$0x1] =	stream.indirect_vreg.gather [hbm4b:s1+s3], $0x80, v4, vm0, $0xb8;
	[tilespmem:$0x10300] =	vst v63  }
0x15a: {  	s13 =	simm.s32 $0xEB00  }
0x15b: {  	[tilespmem:s13], [sflag:$0x1] =	stream.indirect_vreg.gather [hbm4b:s1+s3], $0x80, v3, vm0, $0xb8;
	[tilespmem:$0x10300] =	vst v63  }
0x15c: {  	v3 =	vld [tilespmem:$0x1F0];
	_ =	sdelay $0x4  }
0x15d: {  	v47 =	vshll.u32 v3, $0x1  }
0x15e: {  	v3 =	vand.u32 $0x7, v3;
	v4 =	vand.u32 $0xFFFFFFF0, v47  }
0x15f: {  	v3 =	vor.u32 v3, v4  }
0x160: {  	v4 =	vperm.xlane v3, v0;
	_ =	sdelay $0x1  }
0x161: {  	v3 =	vperm.xlane v3, v2;
	v4 =	vadd.s32 v1, v4;
	_ =	sdelay $0x1  }
0x162: {  	v3 =	vadd.s32 v1, v3;
	_ =	sdelay $0x1  }
0x163: {  	s13 =	simm.s32 $0xF300  }
0x164: {  	[tilespmem:s13], [sflag:$0x1] =	stream.indirect_vreg.gather [hbm4b:s1+s3], $0x80, v4, vm0, $0xb8;
	[tilespmem:$0x10300] =	vst v63  }
0x165: {  	s13 =	simm.s32 $0xFB00  }
0x166: {  	[tilespmem:s13], [sflag:$0x1] =	stream.indirect_vreg.gather [hbm4b:s1+s3], $0x80, v3, vm0, $0xb8;
	[tilespmem:$0x10300] =	vst v63  }
0x167: {  	_ =	swait.ge [sflag:s12], $0x10000  }
0x168: {  	[sflag:s12] =	ssyncset.done $0x0  }
0x169: {  	s13 =	rddreg [dreg:$0x6];
	[sflag:s12] =	ssyncadd.s32 $0xFFFF0000  }
0x16a: {  	[hbm4b:s13+s3] =	stream.linear.scatter [tilespmem:s0], [sflag:$0x2], $0x10000, $0x38;
	[tilespmem:$0x10300] =	vst v63  }
0x16b: {  	_ =	swait.ge [sflag:s5], $0x10000  }
0x16c: {  	[sflag:s5] =	ssyncset.done $0x0  }
0x16d: {  	[sflag:s5] =	ssyncadd.s32 $0xFFFF0000  }
0x16e: {  	v3 =	vld [tilespmem:$0x200];
	_ =	sdelay $0x4  }
0x16f: {  	v48 =	vshll.u32 v3, $0x1  }
0x170: {  	v3 =	vand.u32 $0x7, v3;
	v4 =	vand.u32 $0xFFFFFFF0, v48  }
0x171: {  	v3 =	vor.u32 v3, v4  }
0x172: {  	v4 =	vperm.xlane v3, v0;
	_ =	sdelay $0x1  }
0x173: {  	v3 =	vperm.xlane v3, v2;
	v4 =	vadd.s32 v1, v4;
	_ =	sdelay $0x1  }
0x174: {  	v3 =	vadd.s32 v1, v3;
	_ =	sdelay $0x2  }
0x175: {  	[tilespmem:s0], [sflag:$0x1] =	stream.indirect_vreg.gather [hbm4b:s1+s3], $0x80, v4, vm0, $0xb8;
	[tilespmem:$0x10300] =	vst v63  }
0x176: {  	_ = 	snop  }
0x177: {  	[tilespmem:s14], [sflag:$0x1] =	stream.indirect_vreg.gather [hbm4b:s1+s3], $0x80, v3, vm0, $0xb8;
	[tilespmem:$0x10300] =	vst v63  }
0x178: {  	v3 =	vld [tilespmem:$0x210];
	_ =	sdelay $0x4  }
0x179: {  	v49 =	vshll.u32 v3, $0x1  }
0x17a: {  	v3 =	vand.u32 $0x7, v3;
	v4 =	vand.u32 $0xFFFFFFF0, v49  }
0x17b: {  	v3 =	vor.u32 v3, v4  }
0x17c: {  	v4 =	vperm.xlane v3, v0;
	_ =	sdelay $0x1  }
0x17d: {  	v3 =	vperm.xlane v3, v2;
	v4 =	vadd.s32 v1, v4;
	_ =	sdelay $0x1  }
0x17e: {  	v3 =	vadd.s32 v1, v3;
	_ =	sdelay $0x2  }
0x17f: {  	[tilespmem:s15], [sflag:$0x1] =	stream.indirect_vreg.gather [hbm4b:s1+s3], $0x80, v4, vm0, $0xb8;
	[tilespmem:$0x10300] =	vst v63  }
0x180: {  	_ = 	snop  }
0x181: {  	[tilespmem:s16], [sflag:$0x1] =	stream.indirect_vreg.gather [hbm4b:s1+s3], $0x80, v3, vm0, $0xb8;
	[tilespmem:$0x10300] =	vst v63  }
0x182: {  	v3 =	vld [tilespmem:$0x220];
	_ =	sdelay $0x4  }
0x183: {  	v50 =	vshll.u32 v3, $0x1  }
0x184: {  	v3 =	vand.u32 $0x7, v3;
	v4 =	vand.u32 $0xFFFFFFF0, v50  }
0x185: {  	v3 =	vor.u32 v3, v4  }
0x186: {  	v4 =	vperm.xlane v3, v0;
	_ =	sdelay $0x1  }
0x187: {  	v3 =	vperm.xlane v3, v2;
	v4 =	vadd.s32 v1, v4;
	_ =	sdelay $0x1  }
0x188: {  	v3 =	vadd.s32 v1, v3;
	_ =	sdelay $0x2  }
0x189: {  	[tilespmem:s17], [sflag:$0x1] =	stream.indirect_vreg.gather [hbm4b:s1+s3], $0x80, v4, vm0, $0xb8;
	[tilespmem:$0x10300] =	vst v63  }
0x18a: {  	_ = 	snop  }
0x18b: {  	[tilespmem:s18], [sflag:$0x1] =	stream.indirect_vreg.gather [hbm4b:s1+s3], $0x80, v3, vm0, $0xb8;
	[tilespmem:$0x10300] =	vst v63  }
0x18c: {  	v3 =	vld [tilespmem:$0x230];
	_ =	sdelay $0x4  }
0x18d: {  	v51 =	vshll.u32 v3, $0x1  }
0x18e: {  	v3 =	vand.u32 $0x7, v3;
	v4 =	vand.u32 $0xFFFFFFF0, v51  }
0x18f: {  	v3 =	vor.u32 v3, v4  }
0x190: {  	v4 =	vperm.xlane v3, v0;
	_ =	sdelay $0x1  }
0x191: {  	v3 =	vperm.xlane v3, v2;
	v4 =	vadd.s32 v1, v4;
	_ =	sdelay $0x1  }
0x192: {  	v3 =	vadd.s32 v1, v3;
	_ =	sdelay $0x2  }
0x193: {  	[tilespmem:s19], [sflag:$0x1] =	stream.indirect_vreg.gather [hbm4b:s1+s3], $0x80, v4, vm0, $0xb8;
	[tilespmem:$0x10300] =	vst v63  }
0x194: {  	_ = 	snop  }
0x195: {  	[tilespmem:s20], [sflag:$0x1] =	stream.indirect_vreg.gather [hbm4b:s1+s3], $0x80, v3, vm0, $0xb8;
	[tilespmem:$0x10300] =	vst v63  }
0x196: {  	v3 =	vld [tilespmem:$0x240];
	_ =	sdelay $0x4  }
0x197: {  	v52 =	vshll.u32 v3, $0x1  }
0x198: {  	v3 =	vand.u32 $0x7, v3;
	v4 =	vand.u32 $0xFFFFFFF0, v52  }
0x199: {  	v3 =	vor.u32 v3, v4  }
0x19a: {  	v4 =	vperm.xlane v3, v0;
	_ =	sdelay $0x1  }
0x19b: {  	v3 =	vperm.xlane v3, v2;
	v4 =	vadd.s32 v1, v4;
	_ =	sdelay $0x1  }
0x19c: {  	v3 =	vadd.s32 v1, v3;
	_ =	sdelay $0x2  }
0x19d: {  	[tilespmem:s21], [sflag:$0x1] =	stream.indirect_vreg.gather [hbm4b:s1+s3], $0x80, v4, vm0, $0xb8;
	[tilespmem:$0x10300] =	vst v63  }
0x19e: {  	_ = 	snop  }
0x19f: {  	[tilespmem:s22], [sflag:$0x1] =	stream.indirect_vreg.gather [hbm4b:s1+s3], $0x80, v3, vm0, $0xb8;
	[tilespmem:$0x10300] =	vst v63  }
0x1a0: {  	v3 =	vld [tilespmem:$0x250];
	_ =	sdelay $0x4  }
0x1a1: {  	v53 =	vshll.u32 v3, $0x1  }
0x1a2: {  	v3 =	vand.u32 $0x7, v3;
	v4 =	vand.u32 $0xFFFFFFF0, v53  }
0x1a3: {  	v3 =	vor.u32 v3, v4  }
0x1a4: {  	v4 =	vperm.xlane v3, v0;
	_ =	sdelay $0x1  }
0x1a5: {  	v3 =	vperm.xlane v3, v2;
	v4 =	vadd.s32 v1, v4;
	_ =	sdelay $0x1  }
0x1a6: {  	v3 =	vadd.s32 v1, v3;
	_ =	sdelay $0x2  }
0x1a7: {  	[tilespmem:s23], [sflag:$0x1] =	stream.indirect_vreg.gather [hbm4b:s1+s3], $0x80, v4, vm0, $0xb8;
	[tilespmem:$0x10300] =	vst v63  }
0x1a8: {  	_ = 	snop  }
0x1a9: {  	[tilespmem:s24], [sflag:$0x1] =	stream.indirect_vreg.gather [hbm4b:s1+s3], $0x80, v3, vm0, $0xb8;
	[tilespmem:$0x10300] =	vst v63  }
0x1aa: {  	v3 =	vld [tilespmem:$0x260];
	_ =	sdelay $0x4  }
0x1ab: {  	v54 =	vshll.u32 v3, $0x1  }
0x1ac: {  	v3 =	vand.u32 $0x7, v3;
	v4 =	vand.u32 $0xFFFFFFF0, v54  }
0x1ad: {  	v3 =	vor.u32 v3, v4  }
0x1ae: {  	v4 =	vperm.xlane v3, v0;
	_ =	sdelay $0x1  }
0x1af: {  	v3 =	vperm.xlane v3, v2;
	v4 =	vadd.s32 v1, v4;
	_ =	sdelay $0x1  }
0x1b0: {  	v3 =	vadd.s32 v1, v3;
	_ =	sdelay $0x2  }
0x1b1: {  	[tilespmem:s25], [sflag:$0x1] =	stream.indirect_vreg.gather [hbm4b:s1+s3], $0x80, v4, vm0, $0xb8;
	[tilespmem:$0x10300] =	vst v63  }
0x1b2: {  	_ = 	snop  }
0x1b3: {  	[tilespmem:s26], [sflag:$0x1] =	stream.indirect_vreg.gather [hbm4b:s1+s3], $0x80, v3, vm0, $0xb8;
	[tilespmem:$0x10300] =	vst v63  }
0x1b4: {  	v3 =	vld [tilespmem:$0x270];
	_ =	sdelay $0x4  }
0x1b5: {  	v55 =	vshll.u32 v3, $0x1  }
0x1b6: {  	v3 =	vand.u32 $0x7, v3;
	v4 =	vand.u32 $0xFFFFFFF0, v55  }
0x1b7: {  	v3 =	vor.u32 v3, v4  }
0x1b8: {  	v4 =	vperm.xlane v3, v0;
	_ =	sdelay $0x1  }
0x1b9: {  	v3 =	vperm.xlane v3, v2;
	v4 =	vadd.s32 v1, v4;
	_ =	sdelay $0x1  }
0x1ba: {  	v3 =	vadd.s32 v1, v3;
	_ =	sdelay $0x2  }
0x1bb: {  	[tilespmem:s28], [sflag:$0x1] =	stream.indirect_vreg.gather [hbm4b:s1+s3], $0x80, v4, vm0, $0xb8;
	[tilespmem:$0x10300] =	vst v63  }
0x1bc: {  	_ = 	snop  }
0x1bd: {  	[tilespmem:s29], [sflag:$0x1] =	stream.indirect_vreg.gather [hbm4b:s1+s3], $0x80, v3, vm0, $0xb8;
	[tilespmem:$0x10300] =	vst v63  }
0x1be: {  	v3 =	vld [tilespmem:$0x280];
	_ =	sdelay $0x4  }
0x1bf: {  	v56 =	vshll.u32 v3, $0x1  }
0x1c0: {  	v3 =	vand.u32 $0x7, v3;
	v4 =	vand.u32 $0xFFFFFFF0, v56  }
0x1c1: {  	v3 =	vor.u32 v3, v4  }
0x1c2: {  	v4 =	vperm.xlane v3, v0;
	_ =	sdelay $0x1  }
0x1c3: {  	v3 =	vperm.xlane v3, v2;
	v4 =	vadd.s32 v1, v4;
	_ =	sdelay $0x1  }
0x1c4: {  	v3 =	vadd.s32 v1, v3;
	_ =	sdelay $0x2  }
0x1c5: {  	[tilespmem:s30], [sflag:$0x1] =	stream.indirect_vreg.gather [hbm4b:s1+s3], $0x80, v4, vm0, $0xb8;
	[tilespmem:$0x10300] =	vst v63  }
0x1c6: {  	_ = 	snop  }
0x1c7: {  	[tilespmem:s31], [sflag:$0x1] =	stream.indirect_vreg.gather [hbm4b:s1+s3], $0x80, v3, vm0, $0xb8;
	[tilespmem:$0x10300] =	vst v63  }
0x1c8: {  	v3 =	vld [tilespmem:$0x290];
	_ =	sdelay $0x4  }
0x1c9: {  	v57 =	vshll.u32 v3, $0x1  }
0x1ca: {  	v3 =	vand.u32 $0x7, v3;
	v4 =	vand.u32 $0xFFFFFFF0, v57  }
0x1cb: {  	v3 =	vor.u32 v3, v4  }
0x1cc: {  	v4 =	vperm.xlane v3, v0;
	_ =	sdelay $0x1  }
0x1cd: {  	v3 =	vperm.xlane v3, v2;
	v4 =	vadd.s32 v1, v4;
	_ =	sdelay $0x1  }
0x1ce: {  	v3 =	vadd.s32 v1, v3;
	_ =	sdelay $0x2  }
0x1cf: {  	[tilespmem:s2], [sflag:$0x1] =	stream.indirect_vreg.gather [hbm4b:s1+s3], $0x80, v4, vm0, $0xb8;
	[tilespmem:$0x10300] =	vst v63  }
0x1d0: {  	s13 =	simm.s32 $0x9B00  }
0x1d1: {  	[tilespmem:s13], [sflag:$0x1] =	stream.indirect_vreg.gather [hbm4b:s1+s3], $0x80, v3, vm0, $0xb8;
	[tilespmem:$0x10300] =	vst v63  }
0x1d2: {  	v3 =	vld [tilespmem:$0x2A0];
	_ =	sdelay $0x4  }
0x1d3: {  	v58 =	vshll.u32 v3, $0x1  }
0x1d4: {  	v3 =	vand.u32 $0x7, v3;
	v4 =	vand.u32 $0xFFFFFFF0, v58  }
0x1d5: {  	v3 =	vor.u32 v3, v4  }
0x1d6: {  	v4 =	vperm.xlane v3, v0;
	_ =	sdelay $0x1  }
0x1d7: {  	v3 =	vperm.xlane v3, v2;
	v4 =	vadd.s32 v1, v4;
	_ =	sdelay $0x1  }
0x1d8: {  	v3 =	vadd.s32 v1, v3;
	_ =	sdelay $0x2  }
0x1d9: {  	[tilespmem:s7], [sflag:$0x1] =	stream.indirect_vreg.gather [hbm4b:s1+s3], $0x80, v4, vm0, $0xb8;
	[tilespmem:$0x10300] =	vst v63  }
0x1da: {  	_ = 	snop  }
0x1db: {  	[tilespmem:s8], [sflag:$0x1] =	stream.indirect_vreg.gather [hbm4b:s1+s3], $0x80, v3, vm0, $0xb8;
	[tilespmem:$0x10300] =	vst v63  }
0x1dc: {  	v3 =	vld [tilespmem:$0x2B0];
	_ =	sdelay $0x4  }
0x1dd: {  	v59 =	vshll.u32 v3, $0x1  }
0x1de: {  	v3 =	vand.u32 $0x7, v3;
	v4 =	vand.u32 $0xFFFFFFF0, v59  }
0x1df: {  	v3 =	vor.u32 v3, v4  }
0x1e0: {  	v4 =	vperm.xlane v3, v0;
	_ =	sdelay $0x1  }
0x1e1: {  	v3 =	vperm.xlane v3, v2;
	v4 =	vadd.s32 v1, v4;
	_ =	sdelay $0x1  }
0x1e2: {  	v3 =	vadd.s32 v1, v3;
	_ =	sdelay $0x2  }
0x1e3: {  	[tilespmem:s9], [sflag:$0x1] =	stream.indirect_vreg.gather [hbm4b:s1+s3], $0x80, v4, vm0, $0xb8;
	[tilespmem:$0x10300] =	vst v63  }
0x1e4: {  	_ = 	snop  }
0x1e5: {  	[tilespmem:s10], [sflag:$0x1] =	stream.indirect_vreg.gather [hbm4b:s1+s3], $0x80, v3, vm0, $0xb8;
	[tilespmem:$0x10300] =	vst v63  }
0x1e6: {  	v3 =	vld [tilespmem:$0x2C0];
	_ =	sdelay $0x4  }
0x1e7: {  	v60 =	vshll.u32 v3, $0x1  }
0x1e8: {  	v3 =	vand.u32 $0x7, v3;
	v4 =	vand.u32 $0xFFFFFFF0, v60  }
0x1e9: {  	v3 =	vor.u32 v3, v4  }
0x1ea: {  	v4 =	vperm.xlane v3, v0;
	_ =	sdelay $0x1  }
0x1eb: {  	v3 =	vperm.xlane v3, v2;
	v4 =	vadd.s32 v1, v4;
	_ =	sdelay $0x1  }
0x1ec: {  	v3 =	vadd.s32 v1, v3;
	_ =	sdelay $0x2  }
0x1ed: {  	[tilespmem:s11], [sflag:$0x1] =	stream.indirect_vreg.gather [hbm4b:s1+s3], $0x80, v4, vm0, $0xb8;
	[tilespmem:$0x10300] =	vst v63  }
0x1ee: {  	_ = 	snop  }
0x1ef: {  	[tilespmem:s6], [sflag:$0x1] =	stream.indirect_vreg.gather [hbm4b:s1+s3], $0x80, v3, vm0, $0xb8;
	[tilespmem:$0x10300] =	vst v63  }
0x1f0: {  	v3 =	vld [tilespmem:$0x2D0];
	_ =	sdelay $0x4  }
0x1f1: {  	v61 =	vshll.u32 v3, $0x1  }
0x1f2: {  	v3 =	vand.u32 $0x7, v3;
	v4 =	vand.u32 $0xFFFFFFF0, v61  }
0x1f3: {  	v3 =	vor.u32 v3, v4  }
0x1f4: {  	v4 =	vperm.xlane v3, v0;
	_ =	sdelay $0x1  }
0x1f5: {  	v3 =	vperm.xlane v3, v2;
	v4 =	vadd.s32 v1, v4;
	_ =	sdelay $0x1  }
0x1f6: {  	v3 =	vadd.s32 v1, v3;
	_ =	sdelay $0x1  }
0x1f7: {  	s6 =	simm.s32 $0xD300  }
0x1f8: {  	[tilespmem:s6], [sflag:$0x1] =	stream.indirect_vreg.gather [hbm4b:s1+s3], $0x80, v4, vm0, $0xb8;
	[tilespmem:$0x10300] =	vst v63  }
0x1f9: {  	s13 =	simm.s32 $0xDB00  }
0x1fa: {  	[tilespmem:s13], [sflag:$0x1] =	stream.indirect_vreg.gather [hbm4b:s1+s3], $0x80, v3, vm0, $0xb8;
	[tilespmem:$0x10300] =	vst v63  }
0x1fb: {  	v3 =	vld [tilespmem:$0x2E0];
	_ =	sdelay $0x4  }
0x1fc: {  	v62 =	vshll.u32 v3, $0x1  }
0x1fd: {  	v3 =	vand.u32 $0x7, v3;
	v4 =	vand.u32 $0xFFFFFFF0, v62  }
0x1fe: {  	v3 =	vor.u32 v3, v4  }
0x1ff: {  	v4 =	vperm.xlane v3, v0;
	_ =	sdelay $0x1  }
0x200: {  	v3 =	vperm.xlane v3, v2;
	v4 =	vadd.s32 v1, v4;
	_ =	sdelay $0x1  }
0x201: {  	v3 =	vadd.s32 v1, v3;
	_ =	sdelay $0x1  }
0x202: {  	s6 =	simm.s32 $0xE300  }
0x203: {  	[tilespmem:s6], [sflag:$0x1] =	stream.indirect_vreg.gather [hbm4b:s1+s3], $0x80, v4, vm0, $0xb8;
	[tilespmem:$0x10300] =	vst v63  }
0x204: {  	s13 =	simm.s32 $0xEB00  }
0x205: {  	[tilespmem:s13], [sflag:$0x1] =	stream.indirect_vreg.gather [hbm4b:s1+s3], $0x80, v3, vm0, $0xb8;
	[tilespmem:$0x10300] =	vst v63  }
0x206: {  	v3 =	vld [tilespmem:$0x2F0];
	_ =	sdelay $0x4  }
0x207: {  	v63 =	vshll.u32 v3, $0x1  }
0x208: {  	v3 =	vand.u32 $0x7, v3;
	v4 =	vand.u32 $0xFFFFFFF0, v63  }
0x209: {  	v3 =	vor.u32 v3, v4  }
0x20a: {  	v4 =	vperm.xlane v3, v0;
	_ =	sdelay $0x1  }
0x20b: {  	v3 =	vperm.xlane v3, v2;
	v4 =	vadd.s32 v1, v4;
	_ =	sdelay $0x1  }
0x20c: {  	v3 =	vadd.s32 v1, v3;
	_ =	sdelay $0x1  }
0x20d: {  	s6 =	simm.s32 $0xF300  }
0x20e: {  	[tilespmem:s6], [sflag:$0x1] =	stream.indirect_vreg.gather [hbm4b:s1+s3], $0x80, v4, vm0, $0xb8;
	[tilespmem:$0x10300] =	vst v63  }
0x20f: {  	s13 =	simm.s32 $0xFB00  }
0x210: {  	[tilespmem:s13], [sflag:$0x1] =	stream.indirect_vreg.gather [hbm4b:s1+s3], $0x80, v3, vm0, $0xb8;
	[tilespmem:$0x10300] =	vst v63  }
0x211: {  	_ =	swait.ge [sflag:s12], $0x10000  }
0x212: {  	p0 =	sne.s32 s4, $0x1;
	[sflag:s12] =	ssyncset.done $0x0  }
.Ltmp0:
0x213: {  	s6 =	rddreg [dreg:$0x7];
	[sflag:s12] =	ssyncadd.s32 $0xFFFF0000;
	(pc) =	sbr.rel @p0 .LBB2_1-.Ltmp0, $4  }
0x214: {  	[hbm4b:s6+s3] =	stream.linear.scatter [tilespmem:s0], [sflag:$0x2], $0x10000, $0x38;
	[tilespmem:$0x10300] =	vst v63  }
0x215: {  	_ =	swait.ge [sflag:s5], $0x10000  }
0x216: {  	[sflag:s5] =	ssyncset.done $0x0  }
0x217: {  	s4 =	sadd.s32 $0xFFFFFFFF, s4;
	[sflag:s5] =	ssyncadd.s32 $0xFFFF0000  }
0x218: {  	_ =	sfence.sel $0x180000  }
0x219: {  	[bflag:$0x0] =	sbarrier.arrive $0xFFFF  }
0x21a: {  	_ =	strace $0x90000047  }
0x21b: {  	s0 =	stileid.u32;
	[bflag:$0x2] =	sbarrier.arrive $0xFFFF  }
0x21c: {  	p0 =	sne.s32 s0, $0x0;
	s0 =	rddreg [dreg:$0x3]  }
0x21d: {  	s0 =	sadd.s32 @!p0 $0x100000, s0  }
0x21e: {  	[sflag:s0] =	ssyncadd.tile.s32 @!p0 $0x1;
	_ =	shalt  }
.Lfunc_end2:
_tile_overlayer_lowered:
.L_overlay_start_2:
0x21f: {  	(tag) =	ssettag $0x2  }
0x220: {  	s0 =	rddreg [dreg:$0x0];
	s2 =	stileid.u32  }
0x221: {  	s1 =	rddreg [dreg:$0x1];
	p0 =	sne.s32 s2, $0x0  }
0x222: {  	s3 =	rddreg [dreg:$0x2];
	[bflag:$0x3] =	sbarrier.arrive $0xFFFF;
	s2 =	simm.s32 @!p0 $0x1C02  }
0x223: {  	[timem:s3], [sflag:s2] =	dma.local @!p0 [hbm:s0], s1  }
0x224: {  	s0 =	simm.s32 @!p0 $0x2  }
0x225: {  	_ =	swait.ge @!p0 [sflag:s0], s1  }
0x226: {  	s1 =	ssub.s32 @!p0 $0x0, s1;
	[sflag:s0] =	ssyncset.done @!p0 $0x0  }
0x227: {  	[sflag:s0] =	ssyncadd.s32 @!p0 s1  }
0x228: {  	[bflag:$0x3] =	sbarrier.arrive $0xFFFF  }
0x229: {  	_ =	shalt  }

</sc_bundles>
